<compile_context>
chip_gen: v7x
topology: tpu7x:2x2x1
jax: 0.10.2.dev20260603
libtpu: 0.0.44.dev20260713+nightly
codegen_flags: <defaults>
</compile_context>

<pallas_src>
import functools

import jax
import jax.numpy as jnp
from jax import lax
from jax.experimental import pallas as pl
from jax.experimental.pallas import tpu as pltpu
from jax.experimental.pallas import tpu_sc as plsc

_B = 16384
_J = 12
_V = 160
_D = 8
_NC = 2
_NS = 16
_NW = _NC * _NS
_BPW = _B // _NW
_RB = _BPW // 16


def _table_body(emb_ref, w3_ref, b3_ref, l_ref):
    e = jnp.maximum(emb_ref[...], 0.0)
    w = w3_ref[...]
    for j in range(_J):
        blk = w[:, _D * j:_D * (j + 1)]
        lj = lax.dot_general(blk, e, (((1,), (1,)), ((), ())),
                             preferred_element_type=jnp.float32)
        if j == 0:
            lj = lj + b3_ref[...]
        l_ref[:, _V * j:_V * (j + 1)] = lj


_build_table = pl.pallas_call(
    _table_body,
    out_shape=jax.ShapeDtypeStruct((3, _J * _V), jnp.float32),
)


@functools.partial(
    pl.kernel,
    out_type=jax.ShapeDtypeStruct((3, _B), jnp.float32),
    mesh=plsc.VectorSubcoreMesh(core_axis_name="c", subcore_axis_name="s"),
    compiler_params=pltpu.CompilerParams(needs_layout_passes=False),
    scratch_types=[
        pltpu.VMEM((3, _J * _V), jnp.float32),
        pltpu.VMEM((_J, _BPW), jnp.int32),
        pltpu.VMEM((3, _BPW), jnp.float32),
    ],
)
def _sc_lookup(l_hbm, idxt_hbm, outt_hbm, l_v, idx_v, out_v):
    wid = lax.axis_index("s") * _NC + lax.axis_index("c")
    base = wid * _BPW
    pltpu.sync_copy(idxt_hbm.at[:, pl.ds(base, _BPW)], idx_v)
    pltpu.sync_copy(l_hbm, l_v)

    csplat = [jnp.full((16,), c, jnp.int32) for c in range(3)]

    @plsc.parallel_loop(0, _RB, 1, unroll=2)
    def body(rb):
        off = rb * 16
        acc0 = jnp.zeros((16,), jnp.float32)
        acc1 = jnp.zeros((16,), jnp.float32)
        acc2 = jnp.zeros((16,), jnp.float32)
        for j in range(_J):
            vj = idx_v[j, pl.ds(off, 16)]
            fidx = vj + (j * _V)
            acc0 = acc0 + plsc.load_gather(l_v, [csplat[0], fidx])
            acc1 = acc1 + plsc.load_gather(l_v, [csplat[1], fidx])
            acc2 = acc2 + plsc.load_gather(l_v, [csplat[2], fidx])
        out_v[0, pl.ds(off, 16)] = acc0
        out_v[1, pl.ds(off, 16)] = acc1
        out_v[2, pl.ds(off, 16)] = acc2
    pltpu.sync_copy(out_v, outt_hbm.at[:, pl.ds(base, _BPW)])


def kernel(pose_indices, image, emb_table, W3, b3):
    del image
    l_table = _build_table(emb_table, W3, b3.reshape(3, 1))
    out_t = _sc_lookup(l_table, pose_indices.T)
    return out_t.T

# --- scband reference (transcript-rebuilt; emitter-appended) ---
"""Pipeline reference for scband-pose-classifier-v3-41188736368906 (READ-ONLY COPY).

The authoritative reference and input builder live on the scoring server;
editing this copy changes nothing except your own understanding.
"""

import jax, jax.numpy as jnp
import numpy as np


def setup_inputs(seed: int = 0) -> dict:
    key = jax.random.key(seed)
    k1, k2, k3, k4, k5 = jax.random.split(key, 5)
    # forward inputs: module's forward takes inputs=(pose_indices, image)
    pose_indices = jax.random.randint(k1, (16384, 12), 0, 160, dtype=jnp.int32)
    image = jax.random.normal(k2, (16384, 3, 32, 32), dtype=jnp.float32)
    # learned parameters
    emb_table = jax.random.normal(k3, (160, 8), dtype=jnp.float32) * 0.1  # nn.Embedding(160, 8)
    W3 = jax.random.normal(k4, (3, 96), dtype=jnp.float32) * (1.0 / np.sqrt(96.0))  # nn.Linear(96, 3)
    b3 = jax.random.normal(k5, (3,), dtype=jnp.float32) * 0.01
    return {"pose_indices": pose_indices, "image": image, "emb_table": emb_table, "W3": W3, "b3": b3}


def reference(pose_indices, image, emb_table, W3, b3):
    # pose_embedding = inputs[0].int(); image = inputs[1].float() (image unused downstream)
    pose_idx = pose_indices.astype(jnp.int32)
    _ = image.astype(jnp.float32)
    # self.embedding(pose_embedding).flatten(start_dim=1)
    emb = jnp.take(emb_table, pose_idx, axis=0)          # [B, 12, 8]
    flat = emb.reshape(emb.shape[0], -1)                 # [B, 96]
    # relu then linear3 (dropout layers are defined but not applied in forward)
    h = jax.nn.relu(flat)
    out = h @ W3.T + b3                                  # [B, 3]
    return out

if __name__ == "__main__":
    import jax
    _d = setup_inputs()
    print(jax.jit(kernel)(*tuple(_d.values())))

</pallas_src>

<mosaic_0001>
#map = affine_map<(d0, d1) -> (0, 0)>
module attributes {stable_mosaic.version = 14 : i64} {
  func.func @_sc_lookup(%arg0: i32, %arg1: i32, %arg2: memref<3x1920xf32, #tpu.memory_space<hbm>>, %arg3: memref<12x16384xi32, #tpu.memory_space<hbm>>, %arg4: memref<3x16384xf32, #tpu.memory_space<hbm>>, %arg5: memref<3x1920xf32, #tpu.memory_space<vmem>>, %arg6: memref<12x512xi32, #tpu.memory_space<vmem>>, %arg7: memref<3x512xf32, #tpu.memory_space<vmem>>) attributes {dimension_semantics = [#tpu.dimension_semantics<core_parallel>, #tpu.dimension_semantics<subcore_parallel>], iteration_bounds = array<i64: 2, 16>, scalar_prefetch = 0 : i64, scratch_operands = 3 : i64, tpu.core_type = #tpu.core_type<sc_vector_subcore>, window_params = [{transform_indices = #map}, {transform_indices = #map}, {transform_indices = #map}]} {
    %mul3A = arith.constant 2 : i32
    %mul3A_0 = arith.muli %arg1, %mul3A : i32
    %add3A = arith.addi %mul3A_0, %arg0 : i32
    %mul3A_1 = arith.constant 512 : i32
    %mul3A_2 = arith.muli %add3A, %mul3A_1 : i32
    "tpu.region"() ({
      %run_scoped3A = tpu.sem_alloc : memref<!tpu.dma_semaphore, #tpu.memory_space<semaphore_mem>>
      %dma_start3A = arith.constant 0 : i32
      %dma_start3A_10 = tpu.memref_slice %arg3[%dma_start3A, %mul3A_2] : memref<12x16384xi32, #tpu.memory_space<hbm>> -> memref<12x512xi32, #tpu.memory_space<hbm>>
      %dma_start3A_11 = arith.constant 0 : i32
      %dma_start3A_12 = tpu.memref_slice %arg3[%dma_start3A_11, %mul3A_2] : memref<12x16384xi32, #tpu.memory_space<hbm>> -> memref<12x512xi32, #tpu.memory_space<hbm>>
      tpu.enqueue_dma source(%dma_start3A_12 : memref<12x512xi32, #tpu.memory_space<hbm>>) target(%arg6 : memref<12x512xi32, #tpu.memory_space<vmem>>) target_semaphore(%run_scoped3A : memref<!tpu.dma_semaphore, #tpu.memory_space<semaphore_mem>>)
      %dma_wait3A = arith.constant 0 : i32
      %dma_wait3A_13 = tpu.memref_slice %arg3[%dma_wait3A, %mul3A_2] : memref<12x16384xi32, #tpu.memory_space<hbm>> -> memref<12x512xi32, #tpu.memory_space<hbm>>
      %dma_wait3A_14 = arith.constant 0 : i32
      %dma_wait3A_15 = tpu.memref_slice %arg3[%dma_wait3A_14, %mul3A_2] : memref<12x16384xi32, #tpu.memory_space<hbm>> -> memref<12x512xi32, #tpu.memory_space<hbm>>
      tpu.wait_dma2 semaphore(%run_scoped3A : memref<!tpu.dma_semaphore, #tpu.memory_space<semaphore_mem>>) src(%dma_wait3A_15 : memref<12x512xi32, #tpu.memory_space<hbm>>) dst(%arg6 : memref<12x512xi32, #tpu.memory_space<vmem>>)
      tpu.yield
    }) : () -> ()
    "tpu.region"() ({
      %run_scoped3A = tpu.sem_alloc : memref<!tpu.dma_semaphore, #tpu.memory_space<semaphore_mem>>
      tpu.enqueue_dma source(%arg2 : memref<3x1920xf32, #tpu.memory_space<hbm>>) target(%arg5 : memref<3x1920xf32, #tpu.memory_space<vmem>>) target_semaphore(%run_scoped3A : memref<!tpu.dma_semaphore, #tpu.memory_space<semaphore_mem>>)
      tpu.wait_dma2 semaphore(%run_scoped3A : memref<!tpu.dma_semaphore, #tpu.memory_space<semaphore_mem>>) src(%arg2 : memref<3x1920xf32, #tpu.memory_space<hbm>>) dst(%arg5 : memref<3x1920xf32, #tpu.memory_space<vmem>>)
      tpu.yield
    }) : () -> ()
    %broadcast_in_dim3A = arith.constant 0 : i32
    %broadcast_in_dim3A_3 = vector.broadcast %broadcast_in_dim3A : i32 to vector<16xi32>
    %broadcast_in_dim3A_4 = arith.constant 1 : i32
    %broadcast_in_dim3A_5 = vector.broadcast %broadcast_in_dim3A_4 : i32 to vector<16xi32>
    %broadcast_in_dim3A_6 = arith.constant 2 : i32
    %broadcast_in_dim3A_7 = vector.broadcast %broadcast_in_dim3A_6 : i32 to vector<16xi32>
    %parallel_loop3A = arith.constant 0 : i32
    %parallel_loop3A_8 = arith.constant 32 : i32
    %parallel_loop3A_9 = arith.constant 1 : i32
    scf.for %parallel_loop3A_10 = %parallel_loop3A to %parallel_loop3A_8 step %parallel_loop3A_9  : i32 {
      %parallel_loop3A_11 = arith.constant 16 : i32
      %parallel_loop3A_12 = arith.muli %parallel_loop3A_10, %parallel_loop3A_11 : i32
      %parallel_loop3A_13 = arith.constant 0.000000e+00 : f32
      %parallel_loop3A_14 = vector.broadcast %parallel_loop3A_13 : f32 to vector<16xf32>
      %parallel_loop3A_15 = arith.constant 0.000000e+00 : f32
      %parallel_loop3A_16 = vector.broadcast %parallel_loop3A_15 : f32 to vector<16xf32>
      %parallel_loop3A_17 = arith.constant 0.000000e+00 : f32
      %parallel_loop3A_18 = vector.broadcast %parallel_loop3A_17 : f32 to vector<16xf32>
      %parallel_loop3A_19 = arith.constant 0 : i32
      %parallel_loop3A_20 = arith.index_cast %parallel_loop3A_19 : i32 to index
      %parallel_loop3A_21 = arith.index_cast %parallel_loop3A_12 : i32 to index
      %parallel_loop3A_22 = tpu.vector_load %arg6[%parallel_loop3A_20, %parallel_loop3A_21] {strides = array<i32>} : memref<12x512xi32, #tpu.memory_space<vmem>>, vector<16xi32>,
      %parallel_loop3A_23 = arith.constant 0 : i32
      %parallel_loop3A_24 = vector.broadcast %parallel_loop3A_23 : i32 to vector<16xi32>
      %parallel_loop3A_25 = arith.addi %parallel_loop3A_22, %parallel_loop3A_24 : vector<16xi32>
      %parallel_loop3A_26 = tpu.vector_load_idx %arg5[%broadcast_in_dim3A_3, %parallel_loop3A_25] : memref<3x1920xf32, #tpu.memory_space<vmem>>[vector<16xi32>, vector<16xi32>], vector<16xf32>,
      %parallel_loop3A_27 = arith.addf %parallel_loop3A_14, %parallel_loop3A_26 : vector<16xf32>
      %parallel_loop3A_28 = tpu.vector_load_idx %arg5[%broadcast_in_dim3A_5, %parallel_loop3A_25] : memref<3x1920xf32, #tpu.memory_space<vmem>>[vector<16xi32>, vector<16xi32>], vector<16xf32>,
      %parallel_loop3A_29 = arith.addf %parallel_loop3A_16, %parallel_loop3A_28 : vector<16xf32>
      %parallel_loop3A_30 = tpu.vector_load_idx %arg5[%broadcast_in_dim3A_7, %parallel_loop3A_25] : memref<3x1920xf32, #tpu.memory_space<vmem>>[vector<16xi32>, vector<16xi32>], vector<16xf32>,
      %parallel_loop3A_31 = arith.addf %parallel_loop3A_18, %parallel_loop3A_30 : vector<16xf32>
      %parallel_loop3A_32 = arith.constant 1 : i32
      %parallel_loop3A_33 = arith.index_cast %parallel_loop3A_32 : i32 to index
      %parallel_loop3A_34 = arith.index_cast %parallel_loop3A_12 : i32 to index
      %parallel_loop3A_35 = tpu.vector_load %arg6[%parallel_loop3A_33, %parallel_loop3A_34] {strides = array<i32>} : memref<12x512xi32, #tpu.memory_space<vmem>>, vector<16xi32>,
      %parallel_loop3A_36 = arith.constant 160 : i32
      %parallel_loop3A_37 = vector.broadcast %parallel_loop3A_36 : i32 to vector<16xi32>
      %parallel_loop3A_38 = arith.addi %parallel_loop3A_35, %parallel_loop3A_37 : vector<16xi32>
      %parallel_loop3A_39 = tpu.vector_load_idx %arg5[%broadcast_in_dim3A_3, %parallel_loop3A_38] : memref<3x1920xf32, #tpu.memory_space<vmem>>[vector<16xi32>, vector<16xi32>], vector<16xf32>,
      %parallel_loop3A_40 = arith.addf %parallel_loop3A_27, %parallel_loop3A_39 : vector<16xf32>
      %parallel_loop3A_41 = tpu.vector_load_idx %arg5[%broadcast_in_dim3A_5, %parallel_loop3A_38] : memref<3x1920xf32, #tpu.memory_space<vmem>>[vector<16xi32>, vector<16xi32>], vector<16xf32>,
      %parallel_loop3A_42 = arith.addf %parallel_loop3A_29, %parallel_loop3A_41 : vector<16xf32>
      %parallel_loop3A_43 = tpu.vector_load_idx %arg5[%broadcast_in_dim3A_7, %parallel_loop3A_38] : memref<3x1920xf32, #tpu.memory_space<vmem>>[vector<16xi32>, vector<16xi32>], vector<16xf32>,
      %parallel_loop3A_44 = arith.addf %parallel_loop3A_31, %parallel_loop3A_43 : vector<16xf32>
      %parallel_loop3A_45 = arith.constant 2 : i32
      %parallel_loop3A_46 = arith.index_cast %parallel_loop3A_45 : i32 to index
      %parallel_loop3A_47 = arith.index_cast %parallel_loop3A_12 : i32 to index
      %parallel_loop3A_48 = tpu.vector_load %arg6[%parallel_loop3A_46, %parallel_loop3A_47] {strides = array<i32>} : memref<12x512xi32, #tpu.memory_space<vmem>>, vector<16xi32>,
      %parallel_loop3A_49 = arith.constant 320 : i32
      %parallel_loop3A_50 = vector.broadcast %parallel_loop3A_49 : i32 to vector<16xi32>
      %parallel_loop3A_51 = arith.addi %parallel_loop3A_48, %parallel_loop3A_50 : vector<16xi32>
      %parallel_loop3A_52 = tpu.vector_load_idx %arg5[%broadcast_in_dim3A_3, %parallel_loop3A_51] : memref<3x1920xf32, #tpu.memory_space<vmem>>[vector<16xi32>, vector<16xi32>], vector<16xf32>,
      %parallel_loop3A_53 = arith.addf %parallel_loop3A_40, %parallel_loop3A_52 : vector<16xf32>
      %parallel_loop3A_54 = tpu.vector_load_idx %arg5[%broadcast_in_dim3A_5, %parallel_loop3A_51] : memref<3x1920xf32, #tpu.memory_space<vmem>>[vector<16xi32>, vector<16xi32>], vector<16xf32>,
      %parallel_loop3A_55 = arith.addf %parallel_loop3A_42, %parallel_loop3A_54 : vector<16xf32>
      %parallel_loop3A_56 = tpu.vector_load_idx %arg5[%broadcast_in_dim3A_7, %parallel_loop3A_51] : memref<3x1920xf32, #tpu.memory_space<vmem>>[vector<16xi32>, vector<16xi32>], vector<16xf32>,
      %parallel_loop3A_57 = arith.addf %parallel_loop3A_44, %parallel_loop3A_56 : vector<16xf32>
      %parallel_loop3A_58 = arith.constant 3 : i32
      %parallel_loop3A_59 = arith.index_cast %parallel_loop3A_58 : i32 to index
      %parallel_loop3A_60 = arith.index_cast %parallel_loop3A_12 : i32 to index
      %parallel_loop3A_61 = tpu.vector_load %arg6[%parallel_loop3A_59, %parallel_loop3A_60] {strides = array<i32>} : memref<12x512xi32, #tpu.memory_space<vmem>>, vector<16xi32>,
      %parallel_loop3A_62 = arith.constant 480 : i32
      %parallel_loop3A_63 = vector.broadcast %parallel_loop3A_62 : i32 to vector<16xi32>
      %parallel_loop3A_64 = arith.addi %parallel_loop3A_61, %parallel_loop3A_63 : vector<16xi32>
      %parallel_loop3A_65 = tpu.vector_load_idx %arg5[%broadcast_in_dim3A_3, %parallel_loop3A_64] : memref<3x1920xf32, #tpu.memory_space<vmem>>[vector<16xi32>, vector<16xi32>], vector<16xf32>,
      %parallel_loop3A_66 = arith.addf %parallel_loop3A_53, %parallel_loop3A_65 : vector<16xf32>
      %parallel_loop3A_67 = tpu.vector_load_idx %arg5[%broadcast_in_dim3A_5, %parallel_loop3A_64] : memref<3x1920xf32, #tpu.memory_space<vmem>>[vector<16xi32>, vector<16xi32>], vector<16xf32>,
      %parallel_loop3A_68 = arith.addf %parallel_loop3A_55, %parallel_loop3A_67 : vector<16xf32>
      %parallel_loop3A_69 = tpu.vector_load_idx %arg5[%broadcast_in_dim3A_7, %parallel_loop3A_64] : memref<3x1920xf32, #tpu.memory_space<vmem>>[vector<16xi32>, vector<16xi32>], vector<16xf32>,
      %parallel_loop3A_70 = arith.addf %parallel_loop3A_57, %parallel_loop3A_69 : vector<16xf32>
      %parallel_loop3A_71 = arith.constant 4 : i32
      %parallel_loop3A_72 = arith.index_cast %parallel_loop3A_71 : i32 to index
      %parallel_loop3A_73 = arith.index_cast %parallel_loop3A_12 : i32 to index
      %parallel_loop3A_74 = tpu.vector_load %arg6[%parallel_loop3A_72, %parallel_loop3A_73] {strides = array<i32>} : memref<12x512xi32, #tpu.memory_space<vmem>>, vector<16xi32>,
      %parallel_loop3A_75 = arith.constant 640 : i32
      %parallel_loop3A_76 = vector.broadcast %parallel_loop3A_75 : i32 to vector<16xi32>
      %parallel_loop3A_77 = arith.addi %parallel_loop3A_74, %parallel_loop3A_76 : vector<16xi32>
      %parallel_loop3A_78 = tpu.vector_load_idx %arg5[%broadcast_in_dim3A_3, %parallel_loop3A_77] : memref<3x1920xf32, #tpu.memory_space<vmem>>[vector<16xi32>, vector<16xi32>], vector<16xf32>,
      %parallel_loop3A_79 = arith.addf %parallel_loop3A_66, %parallel_loop3A_78 : vector<16xf32>
      %parallel_loop3A_80 = tpu.vector_load_idx %arg5[%broadcast_in_dim3A_5, %parallel_loop3A_77] : memref<3x1920xf32, #tpu.memory_space<vmem>>[vector<16xi32>, vector<16xi32>], vector<16xf32>,
      %parallel_loop3A_81 = arith.addf %parallel_loop3A_68, %parallel_loop3A_80 : vector<16xf32>
      %parallel_loop3A_82 = tpu.vector_load_idx %arg5[%broadcast_in_dim3A_7, %parallel_loop3A_77] : memref<3x1920xf32, #tpu.memory_space<vmem>>[vector<16xi32>, vector<16xi32>], vector<16xf32>,
      %parallel_loop3A_83 = arith.addf %parallel_loop3A_70, %parallel_loop3A_82 : vector<16xf32>
      %parallel_loop3A_84 = arith.constant 5 : i32
      %parallel_loop3A_85 = arith.index_cast %parallel_loop3A_84 : i32 to index
      %parallel_loop3A_86 = arith.index_cast %parallel_loop3A_12 : i32 to index
      %parallel_loop3A_87 = tpu.vector_load %arg6[%parallel_loop3A_85, %parallel_loop3A_86] {strides = array<i32>} : memref<12x512xi32, #tpu.memory_space<vmem>>, vector<16xi32>,
      %parallel_loop3A_88 = arith.constant 800 : i32
      %parallel_loop3A_89 = vector.broadcast %parallel_loop3A_88 : i32 to vector<16xi32>
      %parallel_loop3A_90 = arith.addi %parallel_loop3A_87, %parallel_loop3A_89 : vector<16xi32>
      %parallel_loop3A_91 = tpu.vector_load_idx %arg5[%broadcast_in_dim3A_3, %parallel_loop3A_90] : memref<3x1920xf32, #tpu.memory_space<vmem>>[vector<16xi32>, vector<16xi32>], vector<16xf32>,
      %parallel_loop3A_92 = arith.addf %parallel_loop3A_79, %parallel_loop3A_91 : vector<16xf32>
      %parallel_loop3A_93 = tpu.vector_load_idx %arg5[%broadcast_in_dim3A_5, %parallel_loop3A_90] : memref<3x1920xf32, #tpu.memory_space<vmem>>[vector<16xi32>, vector<16xi32>], vector<16xf32>,
      %parallel_loop3A_94 = arith.addf %parallel_loop3A_81, %parallel_loop3A_93 : vector<16xf32>
      %parallel_loop3A_95 = tpu.vector_load_idx %arg5[%broadcast_in_dim3A_7, %parallel_loop3A_90] : memref<3x1920xf32, #tpu.memory_space<vmem>>[vector<16xi32>, vector<16xi32>], vector<16xf32>,
      %parallel_loop3A_96 = arith.addf %parallel_loop3A_83, %parallel_loop3A_95 : vector<16xf32>
      %parallel_loop3A_97 = arith.constant 6 : i32
      %parallel_loop3A_98 = arith.index_cast %parallel_loop3A_97 : i32 to index
      %parallel_loop3A_99 = arith.index_cast %parallel_loop3A_12 : i32 to index
      %parallel_loop3A_100 = tpu.vector_load %arg6[%parallel_loop3A_98, %parallel_loop3A_99] {strides = array<i32>} : memref<12x512xi32, #tpu.memory_space<vmem>>, vector<16xi32>,
      %parallel_loop3A_101 = arith.constant 960 : i32
      %parallel_loop3A_102 = vector.broadcast %parallel_loop3A_101 : i32 to vector<16xi32>
      %parallel_loop3A_103 = arith.addi %parallel_loop3A_100, %parallel_loop3A_102 : vector<16xi32>
      %parallel_loop3A_104 = tpu.vector_load_idx %arg5[%broadcast_in_dim3A_3, %parallel_loop3A_103] : memref<3x1920xf32, #tpu.memory_space<vmem>>[vector<16xi32>, vector<16xi32>], vector<16xf32>,
      %parallel_loop3A_105 = arith.addf %parallel_loop3A_92, %parallel_loop3A_104 : vector<16xf32>
      %parallel_loop3A_106 = tpu.vector_load_idx %arg5[%broadcast_in_dim3A_5, %parallel_loop3A_103] : memref<3x1920xf32, #tpu.memory_space<vmem>>[vector<16xi32>, vector<16xi32>], vector<16xf32>,
      %parallel_loop3A_107 = arith.addf %parallel_loop3A_94, %parallel_loop3A_106 : vector<16xf32>
      %parallel_loop3A_108 = tpu.vector_load_idx %arg5[%broadcast_in_dim3A_7, %parallel_loop3A_103] : memref<3x1920xf32, #tpu.memory_space<vmem>>[vector<16xi32>, vector<16xi32>], vector<16xf32>,
      %parallel_loop3A_109 = arith.addf %parallel_loop3A_96, %parallel_loop3A_108 : vector<16xf32>
      %parallel_loop3A_110 = arith.constant 7 : i32
      %parallel_loop3A_111 = arith.index_cast %parallel_loop3A_110 : i32 to index
      %parallel_loop3A_112 = arith.index_cast %parallel_loop3A_12 : i32 to index
      %parallel_loop3A_113 = tpu.vector_load %arg6[%parallel_loop3A_111, %parallel_loop3A_112] {strides = array<i32>} : memref<12x512xi32, #tpu.memory_space<vmem>>, vector<16xi32>,
      %parallel_loop3A_114 = arith.constant 1120 : i32
      %parallel_loop3A_115 = vector.broadcast %parallel_loop3A_114 : i32 to vector<16xi32>
      %parallel_loop3A_116 = arith.addi %parallel_loop3A_113, %parallel_loop3A_115 : vector<16xi32>
      %parallel_loop3A_117 = tpu.vector_load_idx %arg5[%broadcast_in_dim3A_3, %parallel_loop3A_116] : memref<3x1920xf32, #tpu.memory_space<vmem>>[vector<16xi32>, vector<16xi32>], vector<16xf32>,
      %parallel_loop3A_118 = arith.addf %parallel_loop3A_105, %parallel_loop3A_117 : vector<16xf32>
      %parallel_loop3A_119 = tpu.vector_load_idx %arg5[%broadcast_in_dim3A_5, %parallel_loop3A_116] : memref<3x1920xf32, #tpu.memory_space<vmem>>[vector<16xi32>, vector<16xi32>], vector<16xf32>,
      %parallel_loop3A_120 = arith.addf %parallel_loop3A_107, %parallel_loop3A_119 : vector<16xf32>
      %parallel_loop3A_121 = tpu.vector_load_idx %arg5[%broadcast_in_dim3A_7, %parallel_loop3A_116] : memref<3x1920xf32, #tpu.memory_space<vmem>>[vector<16xi32>, vector<16xi32>], vector<16xf32>,
      %parallel_loop3A_122 = arith.addf %parallel_loop3A_109, %parallel_loop3A_121 : vector<16xf32>
      %parallel_loop3A_123 = arith.constant 8 : i32
      %parallel_loop3A_124 = arith.index_cast %parallel_loop3A_123 : i32 to index
      %parallel_loop3A_125 = arith.index_cast %parallel_loop3A_12 : i32 to index
      %parallel_loop3A_126 = tpu.vector_load %arg6[%parallel_loop3A_124, %parallel_loop3A_125] {strides = array<i32>} : memref<12x512xi32, #tpu.memory_space<vmem>>, vector<16xi32>,
      %parallel_loop3A_127 = arith.constant 1280 : i32
      %parallel_loop3A_128 = vector.broadcast %parallel_loop3A_127 : i32 to vector<16xi32>
      %parallel_loop3A_129 = arith.addi %parallel_loop3A_126, %parallel_loop3A_128 : vector<16xi32>
      %parallel_loop3A_130 = tpu.vector_load_idx %arg5[%broadcast_in_dim3A_3, %parallel_loop3A_129] : memref<3x1920xf32, #tpu.memory_space<vmem>>[vector<16xi32>, vector<16xi32>], vector<16xf32>,
      %parallel_loop3A_131 = arith.addf %parallel_loop3A_118, %parallel_loop3A_130 : vector<16xf32>
      %parallel_loop3A_132 = tpu.vector_load_idx %arg5[%broadcast_in_dim3A_5, %parallel_loop3A_129] : memref<3x1920xf32, #tpu.memory_space<vmem>>[vector<16xi32>, vector<16xi32>], vector<16xf32>,
      %parallel_loop3A_133 = arith.addf %parallel_loop3A_120, %parallel_loop3A_132 : vector<16xf32>
      %parallel_loop3A_134 = tpu.vector_load_idx %arg5[%broadcast_in_dim3A_7, %parallel_loop3A_129] : memref<3x1920xf32, #tpu.memory_space<vmem>>[vector<16xi32>, vector<16xi32>], vector<16xf32>,
      %parallel_loop3A_135 = arith.addf %parallel_loop3A_122, %parallel_loop3A_134 : vector<16xf32>
      %parallel_loop3A_136 = arith.constant 9 : i32
      %parallel_loop3A_137 = arith.index_cast %parallel_loop3A_136 : i32 to index
      %parallel_loop3A_138 = arith.index_cast %parallel_loop3A_12 : i32 to index
      %parallel_loop3A_139 = tpu.vector_load %arg6[%parallel_loop3A_137, %parallel_loop3A_138] {strides = array<i32>} : memref<12x512xi32, #tpu.memory_space<vmem>>, vector<16xi32>,
      %parallel_loop3A_140 = arith.constant 1440 : i32
      %parallel_loop3A_141 = vector.broadcast %parallel_loop3A_140 : i32 to vector<16xi32>
      %parallel_loop3A_142 = arith.addi %parallel_loop3A_139, %parallel_loop3A_141 : vector<16xi32>
      %parallel_loop3A_143 = tpu.vector_load_idx %arg5[%broadcast_in_dim3A_3, %parallel_loop3A_142] : memref<3x1920xf32, #tpu.memory_space<vmem>>[vector<16xi32>, vector<16xi32>], vector<16xf32>,
      %parallel_loop3A_144 = arith.addf %parallel_loop3A_131, %parallel_loop3A_143 : vector<16xf32>
      %parallel_loop3A_145 = tpu.vector_load_idx %arg5[%broadcast_in_dim3A_5, %parallel_loop3A_142] : memref<3x1920xf32, #tpu.memory_space<vmem>>[vector<16xi32>, vector<16xi32>], vector<16xf32>,
      %parallel_loop3A_146 = arith.addf %parallel_loop3A_133, %parallel_loop3A_145 : vector<16xf32>
      %parallel_loop3A_147 = tpu.vector_load_idx %arg5[%broadcast_in_dim3A_7, %parallel_loop3A_142] : memref<3x1920xf32, #tpu.memory_space<vmem>>[vector<16xi32>, vector<16xi32>], vector<16xf32>,
      %parallel_loop3A_148 = arith.addf %parallel_loop3A_135, %parallel_loop3A_147 : vector<16xf32>
      %parallel_loop3A_149 = arith.constant 10 : i32
      %parallel_loop3A_150 = arith.index_cast %parallel_loop3A_149 : i32 to index
      %parallel_loop3A_151 = arith.index_cast %parallel_loop3A_12 : i32 to index
      %parallel_loop3A_152 = tpu.vector_load %arg6[%parallel_loop3A_150, %parallel_loop3A_151] {strides = array<i32>} : memref<12x512xi32, #tpu.memory_space<vmem>>, vector<16xi32>,
      %parallel_loop3A_153 = arith.constant 1600 : i32
      %parallel_loop3A_154 = vector.broadcast %parallel_loop3A_153 : i32 to vector<16xi32>
      %parallel_loop3A_155 = arith.addi %parallel_loop3A_152, %parallel_loop3A_154 : vector<16xi32>
      %parallel_loop3A_156 = tpu.vector_load_idx %arg5[%broadcast_in_dim3A_3, %parallel_loop3A_155] : memref<3x1920xf32, #tpu.memory_space<vmem>>[vector<16xi32>, vector<16xi32>], vector<16xf32>,
      %parallel_loop3A_157 = arith.addf %parallel_loop3A_144, %parallel_loop3A_156 : vector<16xf32>
      %parallel_loop3A_158 = tpu.vector_load_idx %arg5[%broadcast_in_dim3A_5, %parallel_loop3A_155] : memref<3x1920xf32, #tpu.memory_space<vmem>>[vector<16xi32>, vector<16xi32>], vector<16xf32>,
      %parallel_loop3A_159 = arith.addf %parallel_loop3A_146, %parallel_loop3A_158 : vector<16xf32>
      %parallel_loop3A_160 = tpu.vector_load_idx %arg5[%broadcast_in_dim3A_7, %parallel_loop3A_155] : memref<3x1920xf32, #tpu.memory_space<vmem>>[vector<16xi32>, vector<16xi32>], vector<16xf32>,
      %parallel_loop3A_161 = arith.addf %parallel_loop3A_148, %parallel_loop3A_160 : vector<16xf32>
      %parallel_loop3A_162 = arith.constant 11 : i32
      %parallel_loop3A_163 = arith.index_cast %parallel_loop3A_162 : i32 to index
      %parallel_loop3A_164 = arith.index_cast %parallel_loop3A_12 : i32 to index
      %parallel_loop3A_165 = tpu.vector_load %arg6[%parallel_loop3A_163, %parallel_loop3A_164] {strides = array<i32>} : memref<12x512xi32, #tpu.memory_space<vmem>>, vector<16xi32>,
      %parallel_loop3A_166 = arith.constant 1760 : i32
      %parallel_loop3A_167 = vector.broadcast %parallel_loop3A_166 : i32 to vector<16xi32>
      %parallel_loop3A_168 = arith.addi %parallel_loop3A_165, %parallel_loop3A_167 : vector<16xi32>
      %parallel_loop3A_169 = tpu.vector_load_idx %arg5[%broadcast_in_dim3A_3, %parallel_loop3A_168] : memref<3x1920xf32, #tpu.memory_space<vmem>>[vector<16xi32>, vector<16xi32>], vector<16xf32>,
      %parallel_loop3A_170 = arith.addf %parallel_loop3A_157, %parallel_loop3A_169 : vector<16xf32>
      %parallel_loop3A_171 = tpu.vector_load_idx %arg5[%broadcast_in_dim3A_5, %parallel_loop3A_168] : memref<3x1920xf32, #tpu.memory_space<vmem>>[vector<16xi32>, vector<16xi32>], vector<16xf32>,
      %parallel_loop3A_172 = arith.addf %parallel_loop3A_159, %parallel_loop3A_171 : vector<16xf32>
      %parallel_loop3A_173 = tpu.vector_load_idx %arg5[%broadcast_in_dim3A_7, %parallel_loop3A_168] : memref<3x1920xf32, #tpu.memory_space<vmem>>[vector<16xi32>, vector<16xi32>], vector<16xf32>,
      %parallel_loop3A_174 = arith.addf %parallel_loop3A_161, %parallel_loop3A_173 : vector<16xf32>
      %parallel_loop3A_175 = arith.constant 0 : i32
      %parallel_loop3A_176 = arith.index_cast %parallel_loop3A_175 : i32 to index
      %parallel_loop3A_177 = arith.index_cast %parallel_loop3A_12 : i32 to index
      %parallel_loop3A_178 = tpu.vector_load %arg7[%parallel_loop3A_176, %parallel_loop3A_177] {strides = array<i32>} : memref<3x512xf32, #tpu.memory_space<vmem>>, vector<16xf32>,
      tpu.vector_store %arg7[%parallel_loop3A_176, %parallel_loop3A_177], %parallel_loop3A_170 {strides = array<i32>} : memref<3x512xf32, #tpu.memory_space<vmem>>, vector<16xf32>,
      %parallel_loop3A_179 = arith.constant 1 : i32
      %parallel_loop3A_180 = arith.index_cast %parallel_loop3A_179 : i32 to index
      %parallel_loop3A_181 = arith.index_cast %parallel_loop3A_12 : i32 to index
      %parallel_loop3A_182 = tpu.vector_load %arg7[%parallel_loop3A_180, %parallel_loop3A_181] {strides = array<i32>} : memref<3x512xf32, #tpu.memory_space<vmem>>, vector<16xf32>,
      tpu.vector_store %arg7[%parallel_loop3A_180, %parallel_loop3A_181], %parallel_loop3A_172 {strides = array<i32>} : memref<3x512xf32, #tpu.memory_space<vmem>>, vector<16xf32>,
      %parallel_loop3A_183 = arith.constant 2 : i32
      %parallel_loop3A_184 = arith.index_cast %parallel_loop3A_183 : i32 to index
      %parallel_loop3A_185 = arith.index_cast %parallel_loop3A_12 : i32 to index
      %parallel_loop3A_186 = tpu.vector_load %arg7[%parallel_loop3A_184, %parallel_loop3A_185] {strides = array<i32>} : memref<3x512xf32, #tpu.memory_space<vmem>>, vector<16xf32>,
      tpu.vector_store %arg7[%parallel_loop3A_184, %parallel_loop3A_185], %parallel_loop3A_174 {strides = array<i32>} : memref<3x512xf32, #tpu.memory_space<vmem>>, vector<16xf32>,
    } {sc.loop_unroll_factor = 2 : i64, sc.parallel_access}
    "tpu.region"() ({
      %run_scoped3A = tpu.sem_alloc : memref<!tpu.dma_semaphore, #tpu.memory_space<semaphore_mem>>
      %dma_start3A = arith.constant 0 : i32
      %dma_start3A_10 = tpu.memref_slice %arg4[%dma_start3A, %mul3A_2] : memref<3x16384xf32, #tpu.memory_space<hbm>> -> memref<3x512xf32, #tpu.memory_space<hbm>>
      %dma_start3A_11 = arith.constant 0 : i32
      %dma_start3A_12 = tpu.memref_slice %arg4[%dma_start3A_11, %mul3A_2] : memref<3x16384xf32, #tpu.memory_space<hbm>> -> memref<3x512xf32, #tpu.memory_space<hbm>>
      tpu.enqueue_dma source(%arg7 : memref<3x512xf32, #tpu.memory_space<vmem>>) target(%dma_start3A_12 : memref<3x512xf32, #tpu.memory_space<hbm>>) target_semaphore(%run_scoped3A : memref<!tpu.dma_semaphore, #tpu.memory_space<semaphore_mem>>)
      %dma_wait3A = arith.constant 0 : i32
      %dma_wait3A_13 = tpu.memref_slice %arg4[%dma_wait3A, %mul3A_2] : memref<3x16384xf32, #tpu.memory_space<hbm>> -> memref<3x512xf32, #tpu.memory_space<hbm>>
      %dma_wait3A_14 = arith.constant 0 : i32
      %dma_wait3A_15 = tpu.memref_slice %arg4[%dma_wait3A_14, %mul3A_2] : memref<3x16384xf32, #tpu.memory_space<hbm>> -> memref<3x512xf32, #tpu.memory_space<hbm>>
      tpu.wait_dma2 semaphore(%run_scoped3A : memref<!tpu.dma_semaphore, #tpu.memory_space<semaphore_mem>>) src(%arg7 : memref<3x512xf32, #tpu.memory_space<vmem>>) dst(%dma_wait3A_15 : memref<3x512xf32, #tpu.memory_space<hbm>>)
      tpu.yield
    }) : () -> ()
    return
  }
}

module attributes {stable_mosaic.version = 14 : i64} {
  func.func @_table_body(%arg0: memref<160x8xf32, #tpu.memory_space<vmem>>, %arg1: memref<3x96xf32, #tpu.memory_space<vmem>>, %arg2: memref<3x1xf32, #tpu.memory_space<vmem>>, %arg3: memref<3x1920xf32, #tpu.memory_space<vmem>>) attributes {dimension_semantics = [], scalar_prefetch = 0 : i64, scratch_operands = 0 : i64, tpu.core_type = #tpu.core_type<tc>} {
    %get3A = arith.constant 0 : index
    %get3A_0 = arith.constant 0 : index
    %get3A_1 = vector.load %arg0[%get3A, %get3A_0] : memref<160x8xf32, #tpu.memory_space<vmem>>, vector<160x8xf32>
    %max3A = arith.constant 0.000000e+00 : f32
    %max3A_2 = vector.broadcast %max3A : f32 to vector<160x8xf32>
    %max3A_3 = arith.maximumf %get3A_1, %max3A_2 : vector<160x8xf32>
    %get3A_4 = arith.constant 0 : index
    %get3A_5 = arith.constant 0 : index
    %get3A_6 = vector.load %arg1[%get3A_4, %get3A_5] : memref<3x96xf32, #tpu.memory_space<vmem>>, vector<3x96xf32>
    %slice3A = vector.extract_strided_slice %get3A_6 {offsets = [0, 0], sizes = [3, 8], strides = [1, 1]} : vector<3x96xf32> to vector<3x8xf32>
    %dot_general3A = arith.constant dense<0.000000e+00> : vector<3x160xf32>
    %dot_general3A_7 = tpu.matmul %slice3A, %max3A_3, %dot_general3A {dimension_numbers = #tpu.dot_dimension_numbers<[1], [1], [0], [0], [0, 0, 1, 0], [], []>, transpose_lhs_hint = false} : vector<3x8xf32>, vector<160x8xf32>, vector<3x160xf32> -> vector<3x160xf32>
    %get3A_8 = arith.constant 0 : index
    %get3A_9 = arith.constant 0 : index
    %get3A_10 = vector.load %arg2[%get3A_8, %get3A_9] : memref<3x1xf32, #tpu.memory_space<vmem>>, vector<3x1xf32>
    %add3A = vector.broadcast %get3A_10 : vector<3x1xf32> to vector<3x160xf32>
    %add3A_11 = arith.addf %dot_general3A_7, %add3A : vector<3x160xf32>
    %swap3A = arith.constant 0 : index
    %swap3A_12 = arith.constant 0 : index
    %swap3A_13 = vector.load %arg3[%swap3A, %swap3A_12] : memref<3x1920xf32, #tpu.memory_space<vmem>>, vector<3x160xf32>
    tpu.vector_store %arg3[%swap3A, %swap3A_12], %add3A_11 {strides = array<i32>} : memref<3x1920xf32, #tpu.memory_space<vmem>>, vector<3x160xf32>,
    %slice3A_14 = vector.extract_strided_slice %get3A_6 {offsets = [0, 8], sizes = [3, 8], strides = [1, 1]} : vector<3x96xf32> to vector<3x8xf32>
    %dot_general3A_15 = arith.constant dense<0.000000e+00> : vector<3x160xf32>
    %dot_general3A_16 = tpu.matmul %slice3A_14, %max3A_3, %dot_general3A_15 {dimension_numbers = #tpu.dot_dimension_numbers<[1], [1], [0], [0], [0, 0, 1, 0], [], []>, transpose_lhs_hint = false} : vector<3x8xf32>, vector<160x8xf32>, vector<3x160xf32> -> vector<3x160xf32>
    %swap3A_17 = arith.constant 0 : index
    %swap3A_18 = arith.constant 160 : index
    %swap3A_19 = vector.load %arg3[%swap3A_17, %swap3A_18] : memref<3x1920xf32, #tpu.memory_space<vmem>>, vector<3x160xf32>
    tpu.vector_store %arg3[%swap3A_17, %swap3A_18], %dot_general3A_16 {strides = array<i32>} : memref<3x1920xf32, #tpu.memory_space<vmem>>, vector<3x160xf32>,
    %slice3A_20 = vector.extract_strided_slice %get3A_6 {offsets = [0, 16], sizes = [3, 8], strides = [1, 1]} : vector<3x96xf32> to vector<3x8xf32>
    %dot_general3A_21 = arith.constant dense<0.000000e+00> : vector<3x160xf32>
    %dot_general3A_22 = tpu.matmul %slice3A_20, %max3A_3, %dot_general3A_21 {dimension_numbers = #tpu.dot_dimension_numbers<[1], [1], [0], [0], [0, 0, 1, 0], [], []>, transpose_lhs_hint = false} : vector<3x8xf32>, vector<160x8xf32>, vector<3x160xf32> -> vector<3x160xf32>
    %swap3A_23 = arith.constant 0 : index
    %swap3A_24 = arith.constant 320 : index
    %swap3A_25 = vector.load %arg3[%swap3A_23, %swap3A_24] : memref<3x1920xf32, #tpu.memory_space<vmem>>, vector<3x160xf32>
    tpu.vector_store %arg3[%swap3A_23, %swap3A_24], %dot_general3A_22 {strides = array<i32>} : memref<3x1920xf32, #tpu.memory_space<vmem>>, vector<3x160xf32>,
    %slice3A_26 = vector.extract_strided_slice %get3A_6 {offsets = [0, 24], sizes = [3, 8], strides = [1, 1]} : vector<3x96xf32> to vector<3x8xf32>
    %dot_general3A_27 = arith.constant dense<0.000000e+00> : vector<3x160xf32>
    %dot_general3A_28 = tpu.matmul %slice3A_26, %max3A_3, %dot_general3A_27 {dimension_numbers = #tpu.dot_dimension_numbers<[1], [1], [0], [0], [0, 0, 1, 0], [], []>, transpose_lhs_hint = false} : vector<3x8xf32>, vector<160x8xf32>, vector<3x160xf32> -> vector<3x160xf32>
    %swap3A_29 = arith.constant 0 : index
    %swap3A_30 = arith.constant 480 : index
    %swap3A_31 = vector.load %arg3[%swap3A_29, %swap3A_30] : memref<3x1920xf32, #tpu.memory_space<vmem>>, vector<3x160xf32>
    tpu.vector_store %arg3[%swap3A_29, %swap3A_30], %dot_general3A_28 {strides = array<i32>} : memref<3x1920xf32, #tpu.memory_space<vmem>>, vector<3x160xf32>,
    %slice3A_32 = vector.extract_strided_slice %get3A_6 {offsets = [0, 32], sizes = [3, 8], strides = [1, 1]} : vector<3x96xf32> to vector<3x8xf32>
    %dot_general3A_33 = arith.constant dense<0.000000e+00> : vector<3x160xf32>
    %dot_general3A_34 = tpu.matmul %slice3A_32, %max3A_3, %dot_general3A_33 {dimension_numbers = #tpu.dot_dimension_numbers<[1], [1], [0], [0], [0, 0, 1, 0], [], []>, transpose_lhs_hint = false} : vector<3x8xf32>, vector<160x8xf32>, vector<3x160xf32> -> vector<3x160xf32>
    %swap3A_35 = arith.constant 0 : index
    %swap3A_36 = arith.constant 640 : index
    %swap3A_37 = vector.load %arg3[%swap3A_35, %swap3A_36] : memref<3x1920xf32, #tpu.memory_space<vmem>>, vector<3x160xf32>
    tpu.vector_store %arg3[%swap3A_35, %swap3A_36], %dot_general3A_34 {strides = array<i32>} : memref<3x1920xf32, #tpu.memory_space<vmem>>, vector<3x160xf32>,
    %slice3A_38 = vector.extract_strided_slice %get3A_6 {offsets = [0, 40], sizes = [3, 8], strides = [1, 1]} : vector<3x96xf32> to vector<3x8xf32>
    %dot_general3A_39 = arith.constant dense<0.000000e+00> : vector<3x160xf32>
    %dot_general3A_40 = tpu.matmul %slice3A_38, %max3A_3, %dot_general3A_39 {dimension_numbers = #tpu.dot_dimension_numbers<[1], [1], [0], [0], [0, 0, 1, 0], [], []>, transpose_lhs_hint = false} : vector<3x8xf32>, vector<160x8xf32>, vector<3x160xf32> -> vector<3x160xf32>
    %swap3A_41 = arith.constant 0 : index
    %swap3A_42 = arith.constant 800 : index
    %swap3A_43 = vector.load %arg3[%swap3A_41, %swap3A_42] : memref<3x1920xf32, #tpu.memory_space<vmem>>, vector<3x160xf32>
    tpu.vector_store %arg3[%swap3A_41, %swap3A_42], %dot_general3A_40 {strides = array<i32>} : memref<3x1920xf32, #tpu.memory_space<vmem>>, vector<3x160xf32>,
    %slice3A_44 = vector.extract_strided_slice %get3A_6 {offsets = [0, 48], sizes = [3, 8], strides = [1, 1]} : vector<3x96xf32> to vector<3x8xf32>
    %dot_general3A_45 = arith.constant dense<0.000000e+00> : vector<3x160xf32>
    %dot_general3A_46 = tpu.matmul %slice3A_44, %max3A_3, %dot_general3A_45 {dimension_numbers = #tpu.dot_dimension_numbers<[1], [1], [0], [0], [0, 0, 1, 0], [], []>, transpose_lhs_hint = false} : vector<3x8xf32>, vector<160x8xf32>, vector<3x160xf32> -> vector<3x160xf32>
    %swap3A_47 = arith.constant 0 : index
    %swap3A_48 = arith.constant 960 : index
    %swap3A_49 = vector.load %arg3[%swap3A_47, %swap3A_48] : memref<3x1920xf32, #tpu.memory_space<vmem>>, vector<3x160xf32>
    tpu.vector_store %arg3[%swap3A_47, %swap3A_48], %dot_general3A_46 {strides = array<i32>} : memref<3x1920xf32, #tpu.memory_space<vmem>>, vector<3x160xf32>,
    %slice3A_50 = vector.extract_strided_slice %get3A_6 {offsets = [0, 56], sizes = [3, 8], strides = [1, 1]} : vector<3x96xf32> to vector<3x8xf32>
    %dot_general3A_51 = arith.constant dense<0.000000e+00> : vector<3x160xf32>
    %dot_general3A_52 = tpu.matmul %slice3A_50, %max3A_3, %dot_general3A_51 {dimension_numbers = #tpu.dot_dimension_numbers<[1], [1], [0], [0], [0, 0, 1, 0], [], []>, transpose_lhs_hint = false} : vector<3x8xf32>, vector<160x8xf32>, vector<3x160xf32> -> vector<3x160xf32>
    %swap3A_53 = arith.constant 0 : index
    %swap3A_54 = arith.constant 1120 : index
    %swap3A_55 = vector.load %arg3[%swap3A_53, %swap3A_54] : memref<3x1920xf32, #tpu.memory_space<vmem>>, vector<3x160xf32>
    tpu.vector_store %arg3[%swap3A_53, %swap3A_54], %dot_general3A_52 {strides = array<i32>} : memref<3x1920xf32, #tpu.memory_space<vmem>>, vector<3x160xf32>,
    %slice3A_56 = vector.extract_strided_slice %get3A_6 {offsets = [0, 64], sizes = [3, 8], strides = [1, 1]} : vector<3x96xf32> to vector<3x8xf32>
    %dot_general3A_57 = arith.constant dense<0.000000e+00> : vector<3x160xf32>
    %dot_general3A_58 = tpu.matmul %slice3A_56, %max3A_3, %dot_general3A_57 {dimension_numbers = #tpu.dot_dimension_numbers<[1], [1], [0], [0], [0, 0, 1, 0], [], []>, transpose_lhs_hint = false} : vector<3x8xf32>, vector<160x8xf32>, vector<3x160xf32> -> vector<3x160xf32>
    %swap3A_59 = arith.constant 0 : index
    %swap3A_60 = arith.constant 1280 : index
    %swap3A_61 = vector.load %arg3[%swap3A_59, %swap3A_60] : memref<3x1920xf32, #tpu.memory_space<vmem>>, vector<3x160xf32>
    tpu.vector_store %arg3[%swap3A_59, %swap3A_60], %dot_general3A_58 {strides = array<i32>} : memref<3x1920xf32, #tpu.memory_space<vmem>>, vector<3x160xf32>,
    %slice3A_62 = vector.extract_strided_slice %get3A_6 {offsets = [0, 72], sizes = [3, 8], strides = [1, 1]} : vector<3x96xf32> to vector<3x8xf32>
    %dot_general3A_63 = arith.constant dense<0.000000e+00> : vector<3x160xf32>
    %dot_general3A_64 = tpu.matmul %slice3A_62, %max3A_3, %dot_general3A_63 {dimension_numbers = #tpu.dot_dimension_numbers<[1], [1], [0], [0], [0, 0, 1, 0], [], []>, transpose_lhs_hint = false} : vector<3x8xf32>, vector<160x8xf32>, vector<3x160xf32> -> vector<3x160xf32>
    %swap3A_65 = arith.constant 0 : index
    %swap3A_66 = arith.constant 1440 : index
    %swap3A_67 = vector.load %arg3[%swap3A_65, %swap3A_66] : memref<3x1920xf32, #tpu.memory_space<vmem>>, vector<3x160xf32>
    tpu.vector_store %arg3[%swap3A_65, %swap3A_66], %dot_general3A_64 {strides = array<i32>} : memref<3x1920xf32, #tpu.memory_space<vmem>>, vector<3x160xf32>,
    %slice3A_68 = vector.extract_strided_slice %get3A_6 {offsets = [0, 80], sizes = [3, 8], strides = [1, 1]} : vector<3x96xf32> to vector<3x8xf32>
    %dot_general3A_69 = arith.constant dense<0.000000e+00> : vector<3x160xf32>
    %dot_general3A_70 = tpu.matmul %slice3A_68, %max3A_3, %dot_general3A_69 {dimension_numbers = #tpu.dot_dimension_numbers<[1], [1], [0], [0], [0, 0, 1, 0], [], []>, transpose_lhs_hint = false} : vector<3x8xf32>, vector<160x8xf32>, vector<3x160xf32> -> vector<3x160xf32>
    %swap3A_71 = arith.constant 0 : index
    %swap3A_72 = arith.constant 1600 : index
    %swap3A_73 = vector.load %arg3[%swap3A_71, %swap3A_72] : memref<3x1920xf32, #tpu.memory_space<vmem>>, vector<3x160xf32>
    tpu.vector_store %arg3[%swap3A_71, %swap3A_72], %dot_general3A_70 {strides = array<i32>} : memref<3x1920xf32, #tpu.memory_space<vmem>>, vector<3x160xf32>,
    %slice3A_74 = vector.extract_strided_slice %get3A_6 {offsets = [0, 88], sizes = [3, 8], strides = [1, 1]} : vector<3x96xf32> to vector<3x8xf32>
    %dot_general3A_75 = arith.constant dense<0.000000e+00> : vector<3x160xf32>
    %dot_general3A_76 = tpu.matmul %slice3A_74, %max3A_3, %dot_general3A_75 {dimension_numbers = #tpu.dot_dimension_numbers<[1], [1], [0], [0], [0, 0, 1, 0], [], []>, transpose_lhs_hint = false} : vector<3x8xf32>, vector<160x8xf32>, vector<3x160xf32> -> vector<3x160xf32>
    %swap3A_77 = arith.constant 0 : index
    %swap3A_78 = arith.constant 1760 : index
    %swap3A_79 = vector.load %arg3[%swap3A_77, %swap3A_78] : memref<3x1920xf32, #tpu.memory_space<vmem>>, vector<3x160xf32>
    tpu.vector_store %arg3[%swap3A_77, %swap3A_78], %dot_general3A_76 {strides = array<i32>} : memref<3x1920xf32, #tpu.memory_space<vmem>>, vector<3x160xf32>,
    return
  }
}

</mosaic_0001>

<sc_bundles>
// kernel: kernel.4.cloned.1.call-start
scs
__scs_entry_jumppad:
0x0: {  	(pc) =	sbr.rel $0x88, $3  }
0x1: {  	(tag) =	ssettag $0x0;
	lr =	simm.s32 $0x1  }
0x2: {  	[smem:$0x3F9D] =	sst lr;
	_ =	strace $0xD0000000  }
0x3: {  	_ = 	snop  }
0x4: {  	_ = 	snop  }
0x5: {  	_ = 	snop  }
0x6: {  	_ = 	snop  }
0x7: {  	_ = 	snop  }
__scs_overlays_trampoline_lowered:
0x8: {  	[smem:$0x3FAC] =	sst s0  }
0x9: {  	[smem:$0x3FAD] =	sst s1  }
0xa: {  	[smem:$0x3FAE] =	sst s2  }
0xb: {  	[smem:$0x3FAF] =	sst s3  }
0xc: {  	[smem:$0x3FB0] =	sst s4  }
0xd: {  	[smem:$0x3FB1] =	sst s5  }
0xe: {  	[smem:$0x3FB2] =	sst s6  }
0xf: {  	[smem:$0x3FB3] =	sst s7  }
0x10: {  	[smem:$0x3FB4] =	sst s8  }
0x11: {  	[smem:$0x3FB5] =	sst s9;
	s0 =	simm.s32 @!p0 $0x0  }
0x12: {  	s1 =	sld [smem:$0x3F9B];
	s0 =	simm.s32 @p0 $0x1  }
0x13: {  	[smem:$0x3FB6] =	sst s0;
	s0 =	simm.s32 @!p1 $0x0  }
0x14: {  	s2 =	sld [smem:$0x3F9A];
	s0 =	simm.s32 @p1 $0x1  }
0x15: {  	[smem:$0x3FB7] =	sst s0;
	s0 =	simm.s32 @!p2 $0x0  }
0x16: {  	s3 =	sld [smem:$0x3FDB];
	s0 =	simm.s32 @p2 $0x1  }
0x17: {  	s4 =	simm.s32 $0x1BF5;
	[smem:$0x3FB9] =	sst s0  }
0x18: {  	s0 =	sld [smem:$0x3F9C];
	_ =	swait.ge [sflag:s4], $0x0  }
0x19: {  	s7 =	sld [smem:$0x3F9D]  }
0x1a: {  	s8 =	sadd.s32 $0xFFFFE003, lr  }
0x1b: {  	s9 =	sadd.s32 $0xFFFFFEF7, lr;
	s5 =	simm.s32 $0xFFFFFFFF;
	p2 =	slt.u32 s8, $0xFFFFF086  }
0x1c: {  	p1 =	slt.u32 s9, $0xF7A;
	s5 =	simm.s32 @!p2 $0x0  }
0x1d: {  	s5 =	simm.s32 @p1 $0x1;
	p0 =	seq.s32 s7, s2  }
0x1e: {  	s7 =	smul.u32 @!p0 $0xF7A, s2;
	p2 =	seq.s32 @!p0 s5, $0x0  }
0x1f: {  	s9 =	smul.u32 $0xF7A, s1;
	s8 =	simm.s32 @!p0 $0x1BF5;
	p2 =	por !p2, p0  }
0x20: {  	[sflag:s8] =	ssyncset.s32 @!p0 $0xFFFFF086;
	s6 =	sadd.s32 @!p0 s3, s7;
	s7 =	simm.s32 @!p0 $0x108  }
0x21: {  	s3 =	sadd.s32 s3, s9;
	s6 =	sadd.s32 @!p0 $0x88, s6;
	s7 =	simm.s32 @p2 $0x1082  }
0x22: {  	[simem:s7], [sflag:s8] =	dma.local @!p0 [hbm:s6], $0xF7A  }
0x23: {  	s9 =	sor.u32 $0xD0000000, s2;
	s6 =	simm.s32 $0x108;
	_ =	swait.ge @!p0 [sflag:s8], $0x0  }
0x24: {  	s3 =	sadd.s32 $0x88, s3;
	s6 =	simm.s32 @!p1 $0x1082;
	[sflag:s4] =	ssyncset.s32 $0xFFFFF086  }
0x25: {  	[simem:s6], [sflag:s4] =	dma.local [hbm:s3], $0xF7A  }
0x26: {  	[smem:$0x3F9D] =	sst s1;
	(tag) =	ssettag s2;
	_ =	strace s9  }
0x27: {  	s1 =	sld [smem:$0x3FAD]  }
0x28: {  	s2 =	sld [smem:$0x3FAE]  }
0x29: {  	s4 =	sld [smem:$0x3FB0]  }
0x2a: {  	p0 =	seq.s32 s5, $0x0;
	s5 =	sld [smem:$0x3FB1]  }
0x2b: {  	s6 =	sld [smem:$0x3FB2]  }
0x2c: {  	s7 =	sld [smem:$0x3FB3]  }
0x2d: {  	s3 =	simm.s32 $0x108;
	s8 =	sld [smem:$0x3FB4]  }
0x2e: {  	s3 =	simm.s32 @!p0 $0x1082;
	s9 =	sld [smem:$0x3FB5]  }
0x2f: {  	lr =	sadd.s32 s0, s3;
	s0 =	sld [smem:$0x3FAC]  }
0x30: {  	s3 =	sld [smem:$0x3FAF]  }
0x31: {  	[smem:$0x3FB8] =	sst s10  }
0x32: {  	s10 =	sld [smem:$0x3FB6];
	_ =	sdelay $0x3  }
0x33: {  	p0 =	seq.s32 s10, $0x1;
	s10 =	sld [smem:$0x3FB8];
	_ =	sdelay $0x3  }
0x34: {  	[smem:$0x3FB8] =	sst s10  }
0x35: {  	s10 =	sld [smem:$0x3FB7];
	_ =	sdelay $0x3  }
0x36: {  	p1 =	seq.s32 s10, $0x1;
	s10 =	sld [smem:$0x3FB8];
	_ =	sdelay $0x3  }
0x37: {  	[smem:$0x3FB8] =	sst s10  }
0x38: {  	s10 =	sld [smem:$0x3FB9]  }
0x39: {  	_ = 	snop;
	(pc) =	sbr.ind lr, $3  }
0x3a: {  	_ = 	snop  }
0x3b: {  	_ = 	snop  }
0x3c: {  	p2 =	seq.s32 s10, $0x1;
	s10 =	sld [smem:$0x3FB8]  }
0x3d: {  	_ =	shalt  }
0x3e: {  	_ =	shalt  }
0x3f: {  	_ =	shalt  }
0x40: {  	_ =	shalt  }
0x41: {  	_ =	shalt  }
0x42: {  	_ =	shalt  }
0x43: {  	_ =	shalt  }
0x44: {  	_ =	shalt  }
0x45: {  	_ =	shalt  }
0x46: {  	_ =	shalt  }
0x47: {  	_ =	shalt  }
0x48: {  	_ =	shalt  }
0x49: {  	_ =	shalt  }
0x4a: {  	_ =	shalt  }
0x4b: {  	_ =	shalt  }
0x4c: {  	_ =	shalt  }
0x4d: {  	_ =	shalt  }
0x4e: {  	_ =	shalt  }
0x4f: {  	_ =	shalt  }
0x50: {  	_ =	shalt  }
0x51: {  	_ =	shalt  }
0x52: {  	_ =	shalt  }
0x53: {  	_ =	shalt  }
0x54: {  	_ =	shalt  }
0x55: {  	_ =	shalt  }
0x56: {  	_ =	shalt  }
0x57: {  	_ =	shalt  }
0x58: {  	_ =	shalt  }
0x59: {  	_ =	shalt  }
0x5a: {  	_ =	shalt  }
0x5b: {  	_ =	shalt  }
0x5c: {  	_ =	shalt  }
0x5d: {  	_ =	shalt  }
0x5e: {  	_ =	shalt  }
0x5f: {  	_ =	shalt  }
0x60: {  	_ =	shalt  }
0x61: {  	_ =	shalt  }
0x62: {  	_ =	shalt  }
0x63: {  	_ =	shalt  }
0x64: {  	_ =	shalt  }
0x65: {  	_ =	shalt  }
0x66: {  	_ =	shalt  }
0x67: {  	_ =	shalt  }
0x68: {  	_ =	shalt  }
0x69: {  	_ =	shalt  }
0x6a: {  	_ =	shalt  }
0x6b: {  	_ =	shalt  }
0x6c: {  	_ =	shalt  }
0x6d: {  	_ =	shalt  }
0x6e: {  	_ =	shalt  }
0x6f: {  	_ =	shalt  }
0x70: {  	_ =	shalt  }
0x71: {  	_ =	shalt  }
0x72: {  	_ =	shalt  }
0x73: {  	_ =	shalt  }
0x74: {  	_ =	shalt  }
0x75: {  	_ =	shalt  }
0x76: {  	_ =	shalt  }
0x77: {  	_ =	shalt  }
0x78: {  	_ =	shalt  }
0x79: {  	_ =	shalt  }
0x7a: {  	_ =	shalt  }
0x7b: {  	_ =	shalt  }
0x7c: {  	_ =	shalt  }
0x7d: {  	_ =	shalt  }
0x7e: {  	_ =	shalt  }
0x7f: {  	_ =	shalt  }
0x80: {  	_ =	shalt  }
0x81: {  	_ =	shalt  }
0x82: {  	_ =	shalt  }
0x83: {  	_ =	shalt  }
0x84: {  	_ =	shalt  }
0x85: {  	_ =	shalt  }
0x86: {  	_ =	shalt  }
0x87: {  	_ =	shalt  }
.Lfunc_end0:
.L_simem_size_0:
called_computation_lowered:
.L_overlay_start_0:
0x88: {  	s2 =	sld [smem:$0x3FD9]  }
0x89: {  	s3 =	sld [smem:$0x3FFE];
	_ =	sdelay $0x1  }
0x8a: {  	s1 =	srdreg.scid  }
0x8b: {  	s0 =	sand.u32 $0x1, s1  }
0x8c: {  	s17 =	sshll.u32 s0, $0xA;
	s2 =	sadd.s32 s3, s2  }
0x8d: {  	s2 =	sadd.s32 s2, s17  }
0x8e: {  	[smem:$0x3FC4] =	sst s2  }
0x8f: {  	_ = 	snop  }
0x90: {  	s2 =	sld [smem:$0x3FC9]  }
0x91: {  	s18 =	sld [smem:$0x3FD0];
	(tm) =	ssettm $0x1  }
0x92: {  	s4 =	sld [smem:$0x3FFB];
	_ =	sdelay $0x3  }
0x93: {  	_ =	strace s4  }
0x94: {  	s4 =	sld [smem:$0x3FFC];
	_ =	sdelay $0x3  }
0x95: {  	_ =	strace s4  }
0x96: {  	s4 =	sld [smem:$0x3FFD];
	_ =	sdelay $0x3  }
0x97: {  	_ =	strace s4  }
0x98: {  	_ =	strace $0x8FFFFFFF  }
0x99: {  	s19 =	sld [smem:$0x3FDB];
	_ =	sdelay $0x1  }
0x9a: {  	s5 =	simm.s32 $_scs_section_size  }
0x9b: {  	s6 =	simm.s32 $_size__tile_overlayer_lowered;
	s7 =	simm.s32 $_tile_overlayer_lowered  }
0x9c: {  	s22 =	simm.s32 $0x1BFF;
	s21 =	sshll.u32 s7, $0x1;
	s4 =	sadd.s32 s5, s19  }
0x9d: {  	s8 =	simm.s32 $0x0;
	s20 =	sshll.u32 s6, $0x1;
	s6 =	sadd.s32 s21, s4  }
0x9e: {  	[timem:s8], [sflag:s22] =	dma.local [hbm:s6], s20  }
0x9f: {  	_ =	swait.ge [sflag:s22], s20  }
0xa0: {  	s5 =	ssub.s32 $0x0, s20;
	[sflag:s22] =	ssyncset.done $0x0  }
0xa1: {  	[sflag:s22] =	ssyncadd.s32 s5;
	_ =	sdelay $0x1  }
0xa2: {  	s23 =	simm.s32 $0x1B8B  }
0xa3: {  	_ =	swait.ge [sflag:s23], $0x1  }
0xa4: {  	[sflag:s23] =	ssyncset.done $0x0  }
0xa5: {  	s25 =	simm.s32 $0x1B8E;
	s24 =	sld [smem:$0x3FFE];
	[sflag:s23] =	ssyncadd.s32 $0xFFFFFFFF  }
0xa6: {  	s26 =	simm.s32 $execute0_lowered;
	[smem:$0x3FD2] =	sst s25  }
0xa7: {  	s6 =	sshll.u32 s26, $0x1;
	_ =	strace $0x80000046;
	[dreg:$0x1] =	wrdreg $0xFFFFFFFF  }
0xa8: {  	s28 =	simm.s32 $_size_execute0_lowered;
	s4 =	sadd.s32 s4, s6;
	[dreg:$0x0] =	wrdreg $0x0  }
0xa9: {  	s6 =	sshll.u32 s28, $0x1;
	[dreg:$0x2] =	wrdreg s4  }
0xaa: {  	[dreg:$0x3] =	wrdreg s6  }
0xab: {  	[dreg:$0x4] =	wrdreg $0xC0  }
0xac: {  	_ =	task [dreg:s8], $0x5FFFF  }
0xad: {  	[dreg:$0x1] =	wrdreg $0xFFFFFFFF  }
0xae: {  	[dreg:$0x0] =	wrdreg $0x60  }
0xaf: {  	[dreg:$0x2] =	wrdreg s24  }
0xb0: {  	[dreg:$0x3] =	wrdreg s2  }
0xb1: {  	[dreg:$0x4] =	wrdreg s18  }
0xb2: {  	[dreg:$0x5] =	wrdreg $0x9  }
0xb3: {  	_ =	task.clear_ibuf [dreg:s8], $0x6FFFF;
	_ =	strace $0x90000046  }
0xb4: {  	s29 =	simm.s32 $0x9;
	_ =	strace $0x80000048  }
0xb5: {  	_ =	swait.ge [sflag:s29], $0x1  }
0xb6: {  	[sflag:s29] =	ssyncadd.s32 $0xFFFFFFFF  }
0xb7: {  	_ =	strace $0x90000048  }
0xb8: {  	_ =	sfence  }
0xb9: {  	s30 =	sld [smem:$0x0];
	_ =	sdelay $0x2  }
0xba: {  	s31 =	sshll.u32 s1, $0xD;
	s1 =	sshrl.u32 s1, $0x2  }
0xbb: {  	s3 =	sand.u32 $0x4000, s31;
	s1 =	sadd.s32 s1, s30  }
0xbc: {  	s0 =	sor.u32 s3, s0;
	s1 =	sshll.u32 s1, $0x11  }
0xbd: {  	s0 =	sor.u32 s1, s0  }
0xbe: {  	s0 =	sadd.s32 $0x8F2B, s0  }
0xbf: {  	[sflag:s0] =	ssyncadd.remote.s32 $0x1  }
0xc0: {  	_ =	sfence.sel $0xFFFF  }
0xc1: {  	[dreg:$0x0] =	wrdreg $0xFFFFFFFF;
	(pc) =	sbr.abs _section_cstart, $3  }
0xc2: {  	[dreg:$0x1] =	wrdreg $0xFFFFFFFF  }
0xc3: {  	_ =	task.clear_ibuf [dreg:s8], $0x2FFFF;
	_ =	strace $0x9FFFFFFF  }
0xc4: {  	(tm) =	ssettm $0x7FFFFFFF  }
0xc5: {  	_ =	shalt  }
tec
execute0_lowered:
.L_overlay_start_1:
0x0: {  	(tag) =	ssettag $0x1  }
0x1: {  	s3 =	rddreg [dreg:$0x0]  }
0x2: {  	s4 =	rddreg [dreg:$0x1]  }
0x3: {  	s5 =	rddreg [dreg:$0x2]  }
0x4: {  	s0 =	rddreg [dreg:$0x3];
	s2 =	simm.s32 $0x0;
	s6 =	srdreg.scid  }
0x5: {  	s1 =	stileid.u32;
	s10 =	simm.s32 $0x1;
	s11 =	simm.s32 $0x3E00  }
0x6: {  	s12 =	simm.s32 $0x0;
	[smem:$0x7FF] =	sst s2;
	s6 =	sand.u32 $0x1, s6  }
0x7: {  	s8 =	sshll.u32 s1, $0xA;
	s7 =	ssub.s32 $0x2, s6;
	s6 =	sshll.u32 s6, $0x9  }
0x8: {  	s3 =	sadd.s32 $0xA00, s3;
	s9 =	sshrl.u32 s7, $0x1;
	s6 =	sor.u32 s6, s8  }
0x9: {  	_ =	strace $0x80000047;
	s7 =	ssub.s32 s7, s9;
	s8 =	sshrl.u32 s6, $0x1  }
0xa: {  	s4 =	sadd.s32 s4, s6;
	s9 =	simm.s32 $0x1E00;
	s5 =	sadd.s32 s5, s8  }
0xb: {  	s6 =	smax.u32 s7, $0x1;
	s7 =	simm.s32 $0x1000;
	s8 =	simm.s32 $0x20000  }
.LBB2_1:
0xc: {  	[tilespmem:s9], [sflag:$0x1] =	stream.strided.gather [hbm4b:s4+s7], $0x2000, s8, s7, $0x38;
	[tilespmem:$0x4600] =	vst v63  }
0xd: {  	_ =	swait.ge [sflag:s10], $0x2000  }
0xe: {  	[sflag:s10] =	ssyncset.done $0x0  }
0xf: {  	s13 =	simm.s32 $0x0;
	[sflag:s10] =	ssyncadd.s32 $0xFFFFE000  }
0x10: {  	[tilespmem:s2], [sflag:$0x1] =	stream.linear.gather [hbm4b:s3+s2], $0x1E00, $0x38;
	[tilespmem:$0x4600] =	vst v63  }
0x11: {  	s14 =	sand.u32 $0x60, s2;
	s16 =	sand.u32 $0x3FFFFC00, s13;
	_ =	swait.ge [sflag:s10], $0x1E00  }
0x12: {  	s24 =	sor.u32 $0x10, s14;
	s15 =	sadd.s32 $0x2F80, s16;
	[sflag:s10] =	ssyncset.done $0x0  }
0x13: {  	s17 =	sadd.s32 $0x2F00, s16;
	s18 =	sor.u32 s24, s15;
	[sflag:s10] =	ssyncadd.s32 $0xFFFFE200  }
0x14: {  	s19 =	sadd.s32 $0x2E80, s16;
	s20 =	sor.u32 s24, s17;
	v0 =	vld [tilespmem:s18+$0x0]  }
0x15: {  	s25 =	sadd.s32 $0x2E00, s16;
	s21 =	sor.u32 s24, s19;
	v1 =	vld [tilespmem:s20+$0x0]  }
0x16: {  	s16 =	sadd.s32 $0x1E00, s16;
	s26 =	sor.u32 s24, s25;
	v2 =	vld [tilespmem:s21+$0x0]  }
0x17: {  	s28 =	sor.u32 s24, s16;
	v3 =	vld [tilespmem:s26+$0x0]  }
0x18: {  	v4 =	vld [tilespmem:s28+$0x380]  }
0x19: {  	v5 =	vld [tilespmem:s28+$0x300]  }
0x1a: {  	v6 =	vld [tilespmem:s28+$0x280]  }
0x1b: {  	v7 =	vld [tilespmem:s28+$0x200]  }
0x1c: {  	v8 =	vld [tilespmem:s28+$0x180]  }
0x1d: {  	v10 =	vld [tilespmem:s28+$0x0]  }
0x1e: {  	v9 =	vld [tilespmem:s28+$0x100]  }
0x1f: {  	v11 =	vld [tilespmem:s28+$0x80];
	v0 =	vadd.s32 $0x6E0, v0;
	v12 =	vand.u32 $0x7F, v3  }
0x20: {  	s16 =	sor.u32 s14, s16;
	v2 =	vadd.s32 $0x5A0, v2;
	v1 =	vadd.s32 $0x640, v1;
	v17 =	vadd.s32 $0x3C0, v5  }
0x21: {  	v14 =	vld [tilespmem:s16+$0x0];
	v4 =	vadd.s32 $0x460, v4;
	v3 =	vshll.u32 v3, $0x2;
	v19 =	vand.u32 $0x7F, v7  }
0x22: {  	v16 =	vld [tilespmem:s16+$0x80];
	v20 =	vshll.u32 v7, $0x2;
	v21 =	vadd.s32 $0x320, v6;
	v5 =	vand.u32 $0x7F, v10  }
0x23: {  	v18 =	vld [tilespmem:s16+$0x100];
	v6 =	vadd.s32 $0x140, v9;
	v9 =	vadd.s32 $0x1E0, v8;
	v7 =	vshll.u32 v10, $0x2  }
0x24: {  	v22 =	vld [tilespmem:s16+$0x180];
	v23 =	vadd.s32 $0xA0, v11;
	v24 =	vand.u32 $0x7F, v0;
	v25 =	vand.u32 $0x7F, v1  }
0x25: {  	v13 =	vld [tilespmem:s16+$0x200];
	v1 =	vshll.u32 v1, $0x2;
	v0 =	vshll.u32 v0, $0x2;
	v7 =	vand.u32 $0xFFFFFE00, v7  }
0x26: {  	v15 =	vld [tilespmem:s16+$0x280];
	v26 =	vand.u32 $0x7F, v2;
	v2 =	vshll.u32 v2, $0x2;
	v3 =	vand.u32 $0xFFFFFE00, v3  }
0x27: {  	v11 =	vld [tilespmem:s16+$0x300];
	v28 =	vand.u32 $0x7F, v4;
	v20 =	vand.u32 $0xFFFFFE00, v20;
	v57 =	vshll.u32 v21, $0x2  }
0x28: {  	s18 =	sor.u32 s14, s25;
	v10 =	vld [tilespmem:s16+$0x380];
	v21 =	vand.u32 $0x7F, v21;
	v27 =	vor.u32 v5, v7;
	v0 =	vand.u32 $0xFFFFFE00, v0  }
0x29: {  	s29 =	sor.u32 s14, s19;
	v8 =	vld [tilespmem:s18+$0x0];
	v1 =	vand.u32 $0xFFFFFE00, v1;
	v5 =	vshll.u32 v4, $0x2;
	v24 =	vor.u32 v24, v0  }
0x2a: {  	s17 =	sor.u32 s14, s17;
	v7 =	vld [tilespmem:s29+$0x0];
	v3 =	vor.u32 v12, v3;
	v19 =	vor.u32 v19, v20;
	v25 =	vor.u32 v25, v1  }
0x2b: {  	s15 =	sor.u32 s14, s15;
	v4 =	vld [tilespmem:s17+$0x0];
	v20 =	vand.u32 $0xFFFFFE00, v57;
	v0 =	vand.u32 $0xFFFFFE00, v2;
	v30 =	vadd.s32 $0x1400, v3  }
0x2c: {  	v2 =	vld [tilespmem:s15+$0x0];
	v32 =	vor.u32 $0x100, v27;
	v26 =	vor.u32 v26, v0;
	v0 =	vshll.u32 v23, $0x2  }
0x2d: {  	v1 =	vand.u32 $0x7F, v23;
	v20 =	vor.u32 v21, v20;
	v0 =	vand.u32 $0xFFFFFE00, v0;
	v31 =	vld.idx.msk [tilespmem:v27+s2+$0x0], $0xffff  }
0x2e: {  	v38 =	vadd.s32 $0xA00, v19;
	v23 =	vor.u32 v1, v0;
	v1 =	vshll.u32 v6, $0x2;
	v0 =	vld.idx.msk [tilespmem:v24+s2+$0x0], $0xffff  }
0x2f: {  	v58 =	vadd.s32 $0xB00, v19;
	v19 =	vadd.s32 $0xA80, v19;
	v35 =	vand.u32 $0xFFFFFE00, v1;
	v1 =	vld.idx.msk [tilespmem:v25+s2+$0x0], $0xffff  }
0x30: {  	v37 =	vand.u32 $0xFFFFFE00, v5;
	v5 =	vld.idx.msk [tilespmem:v30+s2+$0x0], $0xffff  }
0x31: {  	v54 =	vor.u32 v28, v37;
	v21 =	vor.u32 $0x100, v20;
	v53 =	vld.idx.msk [tilespmem:v32+s2+$0x0], $0xffff  }
0x32: {  	v42 =	vor.u32 $0x100, v54;
	v41 =	vld.idx.msk [tilespmem:v20+s2+$0x0], $0xffff  }
0x33: {  	v44 =	vor.u32 $0x100, v26;
	v38 =	vld.idx.msk [tilespmem:v38+s2+$0x0], $0xffff  }
0x34: {  	v12 =	vand.u32 $0x7F, v9;
	v33 =	vadd.s32 $0x1480, v3;
	v6 =	vand.u32 $0x7F, v6;
	v19 =	vld.idx.msk [tilespmem:v19+s2+$0x0], $0xffff  }
0x35: {  	v35 =	vor.u32 v6, v35;
	v6 =	vshll.u32 v9, $0x2;
	v9 =	vadd.s32 $0x1500, v3;
	v3 =	vld.idx.msk [tilespmem:v26+s2+$0x0], $0xffff  }
0x36: {  	v34 =	vor.u32 $0x100, v23;
	v21 =	vld.idx.msk [tilespmem:v21+s2+$0x0], $0xffff  }
0x37: {  	v6 =	vand.u32 $0xFFFFFE00, v6;
	v62 =	vld.idx.msk [tilespmem:v42+s2+$0x0], $0xffff  }
0x38: {  	v27 =	vor.u32 $0x80, v27;
	v32 =	vor.u32 v12, v6;
	v6 =	vshll.u32 v17, $0x2;
	v52 =	vld.idx.msk [tilespmem:v44+s2+$0x0], $0xffff  }
0x39: {  	v40 =	vshll.u32 v14, $0x2;
	v55 =	vand.u32 $0xFFFFFE00, v6;
	v6 =	vld.idx.msk [tilespmem:v33+s2+$0x0], $0xffff  }
0x3a: {  	v14 =	vand.u32 $0x7F, v14;
	v16 =	vadd.s32 $0xA0, v16;
	v40 =	vand.u32 $0xFFFFFE00, v40;
	v48 =	vld.idx.msk [tilespmem:v23+s2+$0x0], $0xffff  }
0x3b: {  	v29 =	vand.u32 $0x7F, v17;
	v40 =	vor.u32 v14, v40;
	v14 =	vshll.u32 v16, $0x2;
	v56 =	vld.idx.msk [tilespmem:v34+s2+$0x0], $0xffff  }
0x3c: {  	v16 =	vand.u32 $0x7F, v16;
	v46 =	vor.u32 $0x80, v24;
	v28 =	vor.u32 v29, v55;
	v29 =	vld.idx.msk [tilespmem:v58+s2+$0x0], $0xffff  }
0x3d: {  	v14 =	vand.u32 $0xFFFFFE00, v14;
	v63 =	vor.u32 $0x100, v25;
	v25 =	vor.u32 $0x80, v25;
	v27 =	vld.idx.msk [tilespmem:v27+s2+$0x0], $0xffff  }
0x3e: {  	v36 =	vor.u32 $0x100, v35;
	v42 =	vor.u32 v16, v14;
	v14 =	vadd.s32 $0x140, v18;
	v59 =	vld.idx.msk [tilespmem:v9+s2+$0x0], $0xffff  }
0x3f: {  	v22 =	vadd.s32 $0x1E0, v22;
	v57 =	vor.u32 $0x80, v35;
	v47 =	vshll.u32 v14, $0x2;
	v9 =	vld.idx.msk [tilespmem:v54+s2+$0x0], $0xffff  }
0x40: {  	v15 =	vadd.s32 $0x320, v15;
	v14 =	vand.u32 $0x7F, v14;
	v47 =	vand.u32 $0xFFFFFE00, v47;
	v37 =	vld.idx.msk [tilespmem:v35+s2+$0x0], $0xffff  }
0x41: {  	v43 =	vor.u32 $0x80, v40;
	v12 =	vor.u32 $0x100, v32;
	v47 =	vor.u32 v14, v47;
	v14 =	vld.idx.msk [tilespmem:v46+s2+$0x0], $0xffff  }
0x42: {  	v11 =	vadd.s32 $0x3C0, v11;
	v10 =	vadd.s32 $0x460, v10;
	v7 =	vadd.s32 $0x5A0, v7;
	v16 =	vld.idx.msk [tilespmem:v25+s2+$0x0], $0xffff  }
0x43: {  	v4 =	vadd.s32 $0x640, v4;
	v24 =	vor.u32 $0x100, v24;
	v23 =	vor.u32 $0x80, v23;
	v36 =	vld.idx.msk [tilespmem:v36+s2+$0x0], $0xffff  }
0x44: {  	v20 =	vor.u32 $0x80, v20;
	v26 =	vor.u32 $0x80, v26;
	v17 =	vor.u32 $0x80, v54;
	v25 =	vld.idx.msk [tilespmem:v57+s2+$0x0], $0xffff  }
0x45: {  	v45 =	vor.u32 $0x80, v42;
	v31 =	vadd.f32 $0.0e+00, v31;
	v30 =	vadd.f32 $0.0e+00, v53;
	v18 =	vld.idx.msk [tilespmem:v32+s2+$0x0], $0xffff  }
0x46: {  	v55 =	vshll.u32 v22, $0x2;
	v22 =	vand.u32 $0x7F, v22;
	v39 =	vor.u32 $0x100, v28;
	v60 =	vld.idx.msk [tilespmem:v12+s2+$0x0], $0xffff  }
0x47: {  	v53 =	vor.u32 $0x100, v42;
	v42 =	vld.idx.msk [tilespmem:v42+s2+$0x0], $0xffff;
	v31 =	vadd.f32 v48, v31;
	v30 =	vadd.f32 v56, v30  }
0x48: {  	v58 =	vshll.u32 v13, $0x2;
	v13 =	vand.u32 $0x7F, v13;
	v32 =	vor.u32 $0x80, v32;
	v23 =	vld.idx.msk [tilespmem:v23+s2+$0x0], $0xffff  }
0x49: {  	v56 =	vand.u32 $0xFFFFFE00, v55;
	v31 =	vadd.f32 v37, v31;
	v37 =	vld.idx.msk [tilespmem:v40+s2+$0x0], $0xffff;
	v30 =	vadd.f32 v36, v30  }
0x4a: {  	v33 =	vand.u32 $0xFFFFFE00, v58;
	v49 =	vor.u32 $0x80, v47;
	v12 =	vld.idx.msk [tilespmem:v28+s2+$0x0], $0xffff;
	v22 =	vor.u32 v22, v56  }
0x4b: {  	v13 =	vor.u32 v13, v33;
	v61 =	vld.idx.msk [tilespmem:v39+s2+$0x0], $0xffff;
	v18 =	vadd.f32 v18, v31;
	v30 =	vadd.f32 v60, v30  }
0x4c: {  	v46 =	vor.u32 $0x100, v47;
	v34 =	vadd.s32 $0xA80, v13;
	v27 =	vadd.f32 $0.0e+00, v27;
	v47 =	vld.idx.msk [tilespmem:v47+s2+$0x0], $0xffff  }
0x4d: {  	v28 =	vor.u32 $0x80, v28;
	v18 =	vadd.f32 v38, v18;
	v29 =	vadd.f32 v29, v30;
	v30 =	vld.idx.msk [tilespmem:v32+s2+$0x0], $0xffff  }
0x4e: {  	v54 =	vld.idx.msk [tilespmem:v63+s2+$0x0], $0xffff;
	v35 =	vor.u32 $0x80, v22;
	v23 =	vadd.f32 v23, v27;
	v37 =	vadd.f32 $0.0e+00, v37  }
0x4f: {  	v36 =	vor.u32 $0x100, v22;
	v22 =	vld.idx.msk [tilespmem:v22+s2+$0x0], $0xffff;
	v18 =	vadd.f32 v41, v18;
	v21 =	vadd.f32 v21, v29  }
0x50: {  	v24 =	vld.idx.msk [tilespmem:v24+s2+$0x0], $0xffff;
	v39 =	vor.u32 $0x100, v40;
	v23 =	vadd.f32 v25, v23;
	v42 =	vadd.f32 v42, v37  }
0x51: {  	v20 =	vld.idx.msk [tilespmem:v20+s2+$0x0], $0xffff;
	v32 =	vadd.s32 $0xA00, v13;
	v12 =	vadd.f32 v12, v18;
	v21 =	vadd.f32 v61, v21  }
0x52: {  	v13 =	vadd.s32 $0xB00, v13;
	v61 =	vld.idx.msk [tilespmem:v43+s2+$0x0], $0xffff;
	v50 =	vadd.f32 v47, v42;
	v23 =	vadd.f32 v30, v23  }
0x53: {  	v26 =	vld.idx.msk [tilespmem:v26+s2+$0x0], $0xffff;
	v9 =	vadd.f32 v9, v12;
	v21 =	vadd.f32 v62, v21;
	v62 =	vshll.u32 v11, $0x2  }
0x54: {  	v17 =	vld.idx.msk [tilespmem:v17+s2+$0x0], $0xffff;
	v11 =	vand.u32 $0x7F, v11;
	v18 =	vadd.f32 v22, v50;
	v19 =	vadd.f32 v19, v23  }
0x55: {  	v40 =	vld.idx.msk [tilespmem:v45+s2+$0x0], $0xffff;
	v29 =	vand.u32 $0xFFFFFE00, v62;
	v5 =	vadd.f32 v5, v9;
	v21 =	vadd.f32 v59, v21  }
0x56: {  	v32 =	vld.idx.msk [tilespmem:v32+s2+$0x0], $0xffff;
	v59 =	vshll.u32 v15, $0x2;
	v15 =	vand.u32 $0x7F, v15;
	v11 =	vor.u32 v11, v29  }
0x57: {  	v53 =	vld.idx.msk [tilespmem:v53+s2+$0x0], $0xffff;
	v60 =	vand.u32 $0xFFFFFE00, v59;
	v44 =	vor.u32 $0x80, v11;
	v33 =	vadd.f32 $0.0e+00, v61  }
0x58: {  	v28 =	vld.idx.msk [tilespmem:v28+s2+$0x0], $0xffff;
	v45 =	vor.u32 $0x100, v11;
	v19 =	vadd.f32 v20, v19;
	v3 =	vadd.f32 v3, v5  }
0x59: {  	v55 =	vld.idx.msk [tilespmem:v49+s2+$0x0], $0xffff;
	v21 =	vadd.f32 v52, v21;
	v15 =	vor.u32 v15, v60;
	v52 =	vshll.u32 v10, $0x2  }
0x5a: {  	v56 =	vld.idx.msk [tilespmem:v46+s2+$0x0], $0xffff;
	v10 =	vand.u32 $0x7F, v10;
	v60 =	vshll.u32 v7, $0x2;
	v7 =	vand.u32 $0x7F, v7  }
0x5b: {  	v63 =	vld.idx.msk [tilespmem:v39+s2+$0x0], $0xffff;
	v12 =	vadd.f32 v32, v18;
	v39 =	vor.u32 $0x80, v15;
	v43 =	vor.u32 $0x100, v15  }
0x5c: {  	v41 =	vld.idx.msk [tilespmem:v34+s2+$0x0], $0xffff;
	v29 =	vand.u32 $0xFFFFFE00, v52;
	v33 =	vadd.f32 v40, v33;
	v52 =	vshll.u32 v4, $0x2  }
0x5d: {  	v13 =	vld.idx.msk [tilespmem:v13+s2+$0x0], $0xffff;
	v19 =	vadd.f32 v28, v19;
	v4 =	vand.u32 $0x7F, v4;
	v3 =	vadd.f32 v1, v3  }
0x5e: {  	v59 =	vld.idx.msk [tilespmem:v35+s2+$0x0], $0xffff;
	v21 =	vadd.f32 v54, v21;
	v54 =	vshll.u32 v8, $0x2;
	v10 =	vor.u32 v10, v29  }
0x5f: {  	v61 =	vld.idx.msk [tilespmem:v36+s2+$0x0], $0xffff;
	v8 =	vand.u32 $0x7F, v8;
	v29 =	vand.u32 $0xFFFFFE00, v60;
	v57 =	vand.u32 $0xFFFFFE00, v54  }
0x60: {  	v58 =	vor.u32 $0x80, v10;
	v11 =	vld.idx.msk [tilespmem:v11+s2+$0x0], $0xffff;
	v21 =	vadd.f32 v24, v21;
	v24 =	vadd.f32 $0.0e+00, v63  }
0x61: {  	v48 =	vor.u32 $0x100, v10;
	v29 =	vor.u32 v7, v29;
	v7 =	vadd.f32 v55, v33;
	v54 =	vld.idx.msk [tilespmem:v44+s2+$0x0], $0xffff  }
0x62: {  	v17 =	vadd.f32 v17, v19;
	v8 =	vor.u32 v8, v57;
	v15 =	vld.idx.msk [tilespmem:v15+s2+$0x0], $0xffff;
	v24 =	vadd.f32 v53, v24  }
0x63: {  	v62 =	vadd.s32 $0x1400, v8;
	v63 =	vadd.s32 $0x1480, v8;
	v8 =	vadd.s32 $0x1500, v8;
	v49 =	vld.idx.msk [tilespmem:v39+s2+$0x0], $0xffff  }
0x64: {  	v55 =	vor.u32 $0x100, v29;
	v6 =	vadd.f32 v6, v17;
	v51 =	vld.idx.msk [tilespmem:v43+s2+$0x0], $0xffff;
	v24 =	vadd.f32 v56, v24  }
0x65: {  	v57 =	vand.u32 $0xFFFFFE00, v52;
	v7 =	vadd.f32 v59, v7;
	v59 =	vadd.s32 $0x6E0, v2;
	v60 =	vld.idx.msk [tilespmem:v10+s2+$0x0], $0xffff  }
0x66: {  	v4 =	vor.u32 v4, v57;
	v6 =	vadd.f32 v26, v6;
	v56 =	vld.idx.msk [tilespmem:v45+s2+$0x0], $0xffff;
	v24 =	vadd.f32 v61, v24  }
0x67: {  	v53 =	vor.u32 $0x80, v29;
	v7 =	vadd.f32 v41, v7;
	v10 =	vshll.u32 v59, $0x2;
	v58 =	vld.idx.msk [tilespmem:v58+s2+$0x0], $0xffff  }
0x68: {  	v10 =	vand.u32 $0xFFFFFE00, v10;
	v6 =	vadd.f32 v16, v6;
	v1 =	vld.idx.msk [tilespmem:v8+s2+$0x0], $0xffff;
	v2 =	vadd.f32 v13, v24  }
0x69: {  	s30 =	simm.s32 $0x0;
	v5 =	vadd.f32 v15, v12;
	v8 =	vand.u32 $0x7F, v59;
	v9 =	vadd.f32 v49, v7;
	v13 =	vld.idx.msk [tilespmem:v48+s2+$0x0], $0xffff  }
0x6a: {  	s15 =	sand.u32 $0x3FFFFE00, s30;
	v14 =	vadd.f32 v14, v6;
	v61 =	vadd.f32 v51, v2;
	v2 =	vld.idx.msk [tilespmem:v62+s2+$0x0], $0xffff;
	v62 =	vor.u32 $0x80, v4  }
0x6b: {  	s15 =	sadd.s32 $0x3E00, s15;
	v7 =	vld.idx.msk [tilespmem:v63+s2+$0x0], $0xffff;
	v6 =	vor.u32 v8, v10;
	v63 =	vadd.f32 v0, v3;
	v8 =	vor.u32 $0x100, v4  }
0x6c: {  	s31 =	sor.u32 s24, s15;
	v0 =	vld.idx.msk [tilespmem:v55+s2+$0x0], $0xffff;
	v11 =	vadd.f32 v11, v5;
	v12 =	vadd.f32 v54, v9  }
0x6d: {  	[tilespmem:s31+$0x100] =	vst v21;
	v5 =	vor.u32 $0x80, v6;
	v9 =	vld.idx.msk [tilespmem:v53+s2+$0x0], $0xffff;
	v15 =	vadd.f32 v56, v61  }
0x6e: {  	v10 =	vld.idx.msk [tilespmem:v29+s2+$0x0], $0xffff;
	v3 =	vor.u32 $0x100, v6;
	[tilespmem:s31+$0x80] =	vst v14;
	v14 =	vadd.f32 v60, v11;
	v12 =	vadd.f32 v58, v12  }
0x6f: {  	s13 =	simm.s32 $0x0;
	s17 =	sor.u32 s14, s15;
	s14 =	simm.s32 $0x0;
	[tilespmem:s31+$0x0] =	vst v63;
	v13 =	vadd.f32 v13, v15;
	v11 =	vld.idx.msk [tilespmem:v62+s2+$0x0], $0xffff  }
.LBB2_2:
0x70: {  	s13 =	sadd.s32 $0x2, s13;
	v2 =	vadd.f32 v2, v14;
	v7 =	vadd.f32 v7, v12;
	v8 =	vld.idx.msk [tilespmem:v8+s2+$0x0], $0xffff  }
0x71: {  	v1 =	vadd.f32 v1, v13;
	s14 =	sadd.s32 $0x20, s14;
	s16 =	sshll.u32 s13, $0x7;
	p0 =	slt.u32 s13, $0x1E;
	v4 =	vld.idx.msk [tilespmem:v4+s2+$0x0], $0xffff  }
0x72: {  	s15 =	sand.u32 $0x60, s14;
	s21 =	sand.u32 $0x3FFFFC00, s16;
	v7 =	vadd.f32 v9, v7;
	v5 =	vld.idx.msk [tilespmem:v5+s2+$0x0], $0xffff  }
0x73: {  	s16 =	sor.u32 $0x10, s15;
	v0 =	vadd.f32 v0, v1;
	s19 =	sadd.s32 $0x2F80, s21;
	v1 =	vld.idx.msk [tilespmem:v3+s2+$0x0], $0xffff  }
0x74: {  	s20 =	sadd.s32 $0x2F00, s21;
	v2 =	vadd.f32 v10, v2;
	s18 =	sor.u32 s15, s19;
	s22 =	sor.u32 s16, s19;
	v3 =	vld.idx.msk [tilespmem:v6+s2+$0x0], $0xffff  }
0x75: {  	s23 =	sadd.s32 $0x2E80, s21;
	s19 =	sor.u32 s15, s20;
	s24 =	sor.u32 s16, s20;
	v7 =	vadd.f32 v11, v7;
	v6 =	vld [tilespmem:s22+$0x0]  }
0x76: {  	s20 =	sor.u32 s15, s23;
	s23 =	sor.u32 s16, s23;
	s22 =	sadd.s32 $0x2E00, s21;
	v0 =	vadd.f32 v8, v0;
	v9 =	vld [tilespmem:s24+$0x0]  }
0x77: {  	s24 =	sadd.s32 $0x1E00, s21;
	s21 =	sor.u32 s15, s22;
	s22 =	sor.u32 s16, s22;
	v2 =	vadd.f32 v4, v2;
	v8 =	vld [tilespmem:s23+$0x0]  }
0x78: {  	s23 =	sor.u32 s15, s24;
	s24 =	sor.u32 s16, s24;
	v5 =	vadd.f32 v5, v7;
	v4 =	vld [tilespmem:s22+$0x0]  }
0x79: {  	v0 =	vadd.f32 v1, v0;
	v7 =	vld [tilespmem:s24+$0x380]  }
0x7a: {  	v2 =	vadd.f32 v3, v2;
	v1 =	vld [tilespmem:s24+$0x300];
	[tilespmem:s17+$0x80] =	vst v5  }
0x7b: {  	v3 =	vld [tilespmem:s24+$0x280];
	[tilespmem:s17+$0x100] =	vst v0  }
0x7c: {  	v0 =	vld [tilespmem:s24+$0x200];
	[tilespmem:s17+$0x0] =	vst v2  }
0x7d: {  	v2 =	vld [tilespmem:s24+$0x180]  }
0x7e: {  	v5 =	vld [tilespmem:s24+$0x100]  }
0x7f: {  	v10 =	vld [tilespmem:s24+$0x0]  }
0x80: {  	v6 =	vadd.s32 $0x6E0, v6;
	v11 =	vld [tilespmem:s24+$0x80]  }
0x81: {  	v9 =	vadd.s32 $0x640, v9;
	v8 =	vadd.s32 $0x5A0, v8;
	v16 =	vand.u32 $0x7F, v4;
	v12 =	vld [tilespmem:s23+$0x0]  }
0x82: {  	v4 =	vshll.u32 v4, $0x2;
	v19 =	vadd.s32 $0x3C0, v1;
	v1 =	vadd.s32 $0x460, v7;
	v18 =	vld [tilespmem:s23+$0x80]  }
0x83: {  	v25 =	vadd.s32 $0x320, v3;
	v7 =	vand.u32 $0x7F, v0;
	v21 =	vshll.u32 v0, $0x2;
	v20 =	vld [tilespmem:s23+$0x100]  }
0x84: {  	v2 =	vadd.s32 $0x1E0, v2;
	v3 =	vadd.s32 $0x140, v5;
	v15 =	vld [tilespmem:s23+$0x180];
	v0 =	vand.u32 $0x7F, v10  }
0x85: {  	v22 =	vand.u32 $0x7F, v6;
	v5 =	vshll.u32 v10, $0x2;
	v13 =	vld [tilespmem:s23+$0x200];
	v17 =	vadd.s32 $0xA0, v11  }
0x86: {  	v6 =	vshll.u32 v6, $0x2;
	v23 =	vand.u32 $0x7F, v9;
	v24 =	vshll.u32 v9, $0x2;
	v14 =	vld [tilespmem:s23+$0x280]  }
0x87: {  	v26 =	vand.u32 $0x7F, v8;
	v27 =	vshll.u32 v8, $0x2;
	v5 =	vand.u32 $0xFFFFFE00, v5;
	v11 =	vld [tilespmem:s23+$0x300]  }
0x88: {  	v28 =	vor.u32 v0, v5;
	v0 =	vand.u32 $0xFFFFFE00, v4;
	v4 =	vand.u32 $0xFFFFFE00, v6;
	v10 =	vld [tilespmem:s23+$0x380]  }
0x89: {  	v5 =	vand.u32 $0x7F, v1;
	v6 =	vand.u32 $0xFFFFFE00, v24;
	v24 =	vor.u32 v22, v4;
	v9 =	vld [tilespmem:s21+$0x0]  }
0x8a: {  	v29 =	vshll.u32 v1, $0x2;
	v1 =	vand.u32 $0xFFFFFE00, v27;
	v23 =	vor.u32 v23, v6;
	v8 =	vld [tilespmem:s20+$0x0]  }
0x8b: {  	v27 =	vand.u32 $0x7F, v19;
	v30 =	vor.u32 v16, v0;
	v22 =	vor.u32 v26, v1;
	v6 =	vld [tilespmem:s19+$0x0]  }
0x8c: {  	v0 =	vshll.u32 v17, $0x2;
	v26 =	vand.u32 $0x7F, v2;
	v31 =	vadd.s32 $0x1400, v30;
	v4 =	vld [tilespmem:s18+$0x0]  }
0x8d: {  	v33 =	vor.u32 $0x100, v28;
	v1 =	vand.u32 $0x7F, v17;
	v0 =	vand.u32 $0xFFFFFE00, v0;
	v32 =	vld.idx.msk [tilespmem:v28+s2+$0x0], $0xffff  }
0x8e: {  	v34 =	vadd.s32 $0x1480, v30;
	v17 =	vor.u32 v1, v0;
	v1 =	vshll.u32 v3, $0x2;
	v0 =	vld.idx.msk [tilespmem:v24+s2+$0x0], $0xffff  }
0x8f: {  	v3 =	vand.u32 $0x7F, v3;
	v35 =	vor.u32 $0x100, v17;
	v16 =	vand.u32 $0xFFFFFE00, v1;
	v1 =	vld.idx.msk [tilespmem:v23+s2+$0x0], $0xffff  }
0x90: {  	v30 =	vadd.s32 $0x1500, v30;
	v16 =	vor.u32 v3, v16;
	v3 =	vshll.u32 v2, $0x2;
	v2 =	vld.idx.msk [tilespmem:v22+s2+$0x0], $0xffff  }
0x91: {  	v29 =	vand.u32 $0xFFFFFE00, v29;
	v36 =	vor.u32 $0x100, v16;
	v37 =	vand.u32 $0xFFFFFE00, v3;
	v3 =	vld.idx.msk [tilespmem:v31+s2+$0x0], $0xffff  }
0x92: {  	v19 =	vshll.u32 v19, $0x2;
	v29 =	vor.u32 v5, v29;
	v26 =	vor.u32 v26, v37;
	v31 =	vld.idx.msk [tilespmem:v33+s2+$0x0], $0xffff  }
0x93: {  	v21 =	vand.u32 $0xFFFFFE00, v21;
	v19 =	vand.u32 $0xFFFFFE00, v19;
	v33 =	vor.u32 $0x100, v26;
	v5 =	vld.idx.msk [tilespmem:v34+s2+$0x0], $0xffff  }
0x94: {  	v21 =	vor.u32 v7, v21;
	v7 =	vshll.u32 v25, $0x2;
	v27 =	vor.u32 v27, v19;
	v34 =	vld.idx.msk [tilespmem:v35+s2+$0x0], $0xffff  }
0x95: {  	v7 =	vand.u32 $0xFFFFFE00, v7;
	v19 =	vand.u32 $0x7F, v25;
	v35 =	vadd.s32 $0xB00, v21;
	v25 =	vld.idx.msk [tilespmem:v30+s2+$0x0], $0xffff  }
0x96: {  	v37 =	vor.u32 v19, v7;
	v30 =	vand.u32 $0x7F, v12;
	v12 =	vshll.u32 v12, $0x2;
	v36 =	vld.idx.msk [tilespmem:v36+s2+$0x0], $0xffff  }
0x97: {  	v18 =	vadd.s32 $0xA0, v18;
	v38 =	vor.u32 $0x100, v37;
	v12 =	vand.u32 $0xFFFFFE00, v12;
	v7 =	vld.idx.msk [tilespmem:v29+s2+$0x0], $0xffff  }
0x98: {  	v19 =	vor.u32 v30, v12;
	v30 =	vadd.f32 $0.0e+00, v31;
	v31 =	vld.idx.msk [tilespmem:v33+s2+$0x0], $0xffff;
	v33 =	vadd.s32 $0xA00, v21  }
0x99: {  	v40 =	vshll.u32 v18, $0x2;
	v41 =	vor.u32 $0x100, v27;
	v39 =	vor.u32 $0x80, v19;
	v12 =	vld.idx.msk [tilespmem:v27+s2+$0x0], $0xffff  }
0x9a: {  	v42 =	vor.u32 $0x100, v19;
	v30 =	vadd.f32 v34, v30;
	v34 =	vadd.s32 $0xA80, v21;
	v35 =	vld.idx.msk [tilespmem:v35+s2+$0x0], $0xffff  }
0x9b: {  	v43 =	vor.u32 $0x100, v29;
	v40 =	vand.u32 $0xFFFFFE00, v40;
	v21 =	vand.u32 $0x7F, v18;
	v18 =	vld.idx.msk [tilespmem:v37+s2+$0x0], $0xffff  }
0x9c: {  	v20 =	vadd.s32 $0x140, v20;
	v21 =	vor.u32 v21, v40;
	v30 =	vadd.f32 v36, v30;
	v36 =	vld.idx.msk [tilespmem:v38+s2+$0x0], $0xffff  }
0x9d: {  	v44 =	vshll.u32 v20, $0x2;
	v40 =	vor.u32 $0x100, v21;
	v38 =	vor.u32 $0x80, v21;
	v33 =	vld.idx.msk [tilespmem:v33+s2+$0x0], $0xffff  }
0x9e: {  	v20 =	vand.u32 $0x7F, v20;
	v44 =	vand.u32 $0xFFFFFE00, v44;
	v30 =	vadd.f32 v31, v30;
	v31 =	vld.idx.msk [tilespmem:v41+s2+$0x0], $0xffff  }
0x9f: {  	v20 =	vor.u32 v20, v44;
	v41 =	vadd.s32 $0x1E0, v15;
	v15 =	vld.idx.msk [tilespmem:v34+s2+$0x0], $0xffff;
	v34 =	vor.u32 $0x100, v22  }
0xa0: {  	v28 =	vor.u32 $0x80, v28;
	v44 =	vshll.u32 v41, $0x2;
	v30 =	vadd.f32 v35, v30;
	v35 =	vld.idx.msk [tilespmem:v43+s2+$0x0], $0xffff  }
0xa1: {  	v47 =	vor.u32 $0x100, v23;
	v45 =	vor.u32 $0x100, v20;
	v43 =	vor.u32 $0x80, v20;
	v46 =	vld.idx.msk [tilespmem:v26+s2+$0x0], $0xffff  }
0xa2: {  	v44 =	vand.u32 $0xFFFFFE00, v44;
	v30 =	vadd.f32 v36, v30;
	v36 =	vor.u32 $0x80, v24;
	v48 =	vld.idx.msk [tilespmem:v16+s2+$0x0], $0xffff  }
0xa3: {  	v49 =	vshll.u32 v13, $0x2;
	v41 =	vand.u32 $0x7F, v41;
	v24 =	vor.u32 $0x100, v24;
	v50 =	vld.idx.msk [tilespmem:v17+s2+$0x0], $0xffff  }
0xa4: {  	v23 =	vor.u32 $0x80, v23;
	v41 =	vor.u32 v41, v44;
	v30 =	vadd.f32 v31, v30;
	v31 =	vld.idx.msk [tilespmem:v34+s2+$0x0], $0xffff  }
0xa5: {  	v32 =	vadd.f32 $0.0e+00, v32;
	v22 =	vor.u32 $0x80, v22;
	v34 =	vor.u32 $0x80, v41;
	v28 =	vld.idx.msk [tilespmem:v28+s2+$0x0], $0xffff  }
0xa6: {  	v29 =	vor.u32 $0x80, v29;
	v44 =	vor.u32 $0x100, v41;
	v30 =	vadd.f32 v35, v30;
	v35 =	vld.idx.msk [tilespmem:v47+s2+$0x0], $0xffff  }
0xa7: {  	v49 =	vand.u32 $0xFFFFFE00, v49;
	v27 =	vor.u32 $0x80, v27;
	v47 =	vand.u32 $0x7F, v13;
	v13 =	vld.idx.msk [tilespmem:v36+s2+$0x0], $0xffff  }
0xa8: {  	v37 =	vor.u32 $0x80, v37;
	v36 =	vadd.s32 $0x320, v14;
	v25 =	vadd.f32 v25, v30;
	v24 =	vld.idx.msk [tilespmem:v24+s2+$0x0], $0xffff  }
0xa9: {  	v26 =	vor.u32 $0x80, v26;
	v30 =	vor.u32 v47, v49;
	v47 =	vshll.u32 v36, $0x2;
	v14 =	vld.idx.msk [tilespmem:v23+s2+$0x0], $0xffff  }
0xaa: {  	v23 =	vadd.f32 v50, v32;
	v32 =	vor.u32 $0x80, v16;
	v16 =	vld.idx.msk [tilespmem:v22+s2+$0x0], $0xffff;
	v22 =	vadd.f32 v31, v25  }
0xab: {  	v17 =	vor.u32 $0x80, v17;
	v25 =	vadd.s32 $0xA00, v30;
	v28 =	vadd.f32 $0.0e+00, v28;
	v29 =	vld.idx.msk [tilespmem:v29+s2+$0x0], $0xffff  }
0xac: {  	s17 =	sshll.u32 s13, $0x6;
	v31 =	vadd.s32 $0xA80, v30;
	v30 =	vadd.s32 $0xB00, v30;
	v27 =	vld.idx.msk [tilespmem:v27+s2+$0x0], $0xffff;
	v22 =	vadd.f32 v35, v22  }
0xad: {  	s17 =	sand.u32 $0x3FFFFE00, s17;
	v11 =	vadd.s32 $0x3C0, v11;
	v35 =	vand.u32 $0x7F, v36;
	v36 =	vand.u32 $0xFFFFFE00, v47;
	v37 =	vld.idx.msk [tilespmem:v37+s2+$0x0], $0xffff  }
0xae: {  	s18 =	sadd.s32 $0x3E00, s17;
	v35 =	vor.u32 v35, v36;
	v36 =	vshll.u32 v11, $0x2;
	v26 =	vld.idx.msk [tilespmem:v26+s2+$0x0], $0xffff;
	v22 =	vadd.f32 v24, v22  }
0xaf: {  	s17 =	sor.u32 s15, s18;
	s15 =	sor.u32 s16, s18;
	v23 =	vadd.f32 v48, v23;
	v24 =	vor.u32 $0x80, v35;
	v47 =	vor.u32 $0x100, v35;
	v32 =	vld.idx.msk [tilespmem:v32+s2+$0x0], $0xffff  }
0xb0: {  	v10 =	vadd.s32 $0x460, v10;
	v11 =	vand.u32 $0x7F, v11;
	v36 =	vand.u32 $0xFFFFFE00, v36;
	v17 =	vld.idx.msk [tilespmem:v17+s2+$0x0], $0xffff;
	[tilespmem:s15+$0x100] =	vst v22  }
0xb1: {  	v23 =	vadd.f32 v46, v23;
	v11 =	vor.u32 v11, v36;
	v36 =	vshll.u32 v10, $0x2;
	v22 =	vld.idx.msk [tilespmem:v39+s2+$0x0], $0xffff  }
0xb2: {  	v46 =	vor.u32 $0x100, v11;
	v36 =	vand.u32 $0xFFFFFE00, v36;
	v39 =	vld.idx.msk [tilespmem:v42+s2+$0x0], $0xffff;
	v42 =	vor.u32 $0x80, v11  }
0xb3: {  	v48 =	vshll.u32 v9, $0x2;
	v10 =	vand.u32 $0x7F, v10;
	v23 =	vadd.f32 v33, v23;
	v19 =	vld.idx.msk [tilespmem:v19+s2+$0x0], $0xffff  }
0xb4: {  	v9 =	vand.u32 $0x7F, v9;
	v10 =	vor.u32 v10, v36;
	v36 =	vand.u32 $0xFFFFFE00, v48;
	v33 =	vld.idx.msk [tilespmem:v38+s2+$0x0], $0xffff  }
0xb5: {  	v8 =	vadd.s32 $0x5A0, v8;
	v48 =	vor.u32 $0x100, v10;
	v38 =	vld.idx.msk [tilespmem:v40+s2+$0x0], $0xffff;
	v40 =	vor.u32 $0x80, v10  }
0xb6: {  	v9 =	vor.u32 v9, v36;
	v36 =	vshll.u32 v8, $0x2;
	v17 =	vadd.f32 v17, v28;
	v21 =	vld.idx.msk [tilespmem:v21+s2+$0x0], $0xffff  }
0xb7: {  	v18 =	vadd.f32 v18, v23;
	v22 =	vadd.f32 $0.0e+00, v22;
	v28 =	vld.idx.msk [tilespmem:v43+s2+$0x0], $0xffff;
	v43 =	vadd.s32 $0x1400, v9  }
0xb8: {  	v23 =	vadd.f32 $0.0e+00, v39;
	v17 =	vadd.f32 v32, v17;
	v39 =	vld.idx.msk [tilespmem:v45+s2+$0x0], $0xffff;
	v45 =	vadd.s32 $0x1480, v9  }
0xb9: {  	v32 =	vand.u32 $0xFFFFFE00, v36;
	v19 =	vadd.f32 $0.0e+00, v19;
	v9 =	vadd.s32 $0x1500, v9;
	v20 =	vld.idx.msk [tilespmem:v20+s2+$0x0], $0xffff  }
0xba: {  	v8 =	vand.u32 $0x7F, v8;
	v22 =	vadd.f32 v33, v22;
	v17 =	vadd.f32 v26, v17;
	v33 =	vld.idx.msk [tilespmem:v34+s2+$0x0], $0xffff  }
0xbb: {  	v6 =	vadd.s32 $0x640, v6;
	v32 =	vor.u32 v8, v32;
	v23 =	vadd.f32 v38, v23;
	v26 =	vld.idx.msk [tilespmem:v44+s2+$0x0], $0xffff  }
0xbc: {  	v8 =	vadd.f32 v21, v19;
	v21 =	vshll.u32 v6, $0x2;
	v15 =	vadd.f32 v15, v17;
	v19 =	vld.idx.msk [tilespmem:v41+s2+$0x0], $0xffff  }
0xbd: {  	v12 =	vadd.f32 v12, v18;
	v17 =	vadd.f32 v28, v22;
	v22 =	vld.idx.msk [tilespmem:v25+s2+$0x0], $0xffff;
	v25 =	vor.u32 $0x80, v32  }
0xbe: {  	v28 =	vor.u32 $0x100, v32;
	v18 =	vadd.f32 v39, v23;
	v15 =	vadd.f32 v37, v15;
	v23 =	vld.idx.msk [tilespmem:v31+s2+$0x0], $0xffff  }
0xbf: {  	v6 =	vand.u32 $0x7F, v6;
	v21 =	vand.u32 $0xFFFFFE00, v21;
	v8 =	vadd.f32 v20, v8;
	v20 =	vld.idx.msk [tilespmem:v30+s2+$0x0], $0xffff  }
0xc0: {  	v17 =	vadd.f32 v33, v17;
	v30 =	vadd.s32 $0x6E0, v4;
	v15 =	vadd.f32 v27, v15;
	v24 =	vld.idx.msk [tilespmem:v24+s2+$0x0], $0xffff  }
0xc1: {  	v4 =	vor.u32 v6, v21;
	v18 =	vadd.f32 v26, v18;
	v6 =	vshll.u32 v30, $0x2;
	v26 =	vld.idx.msk [tilespmem:v47+s2+$0x0], $0xffff  }
0xc2: {  	v27 =	vor.u32 $0x80, v4;
	v19 =	vadd.f32 v19, v8;
	v15 =	vadd.f32 v29, v15;
	v21 =	vld.idx.msk [tilespmem:v35+s2+$0x0], $0xffff  }
0xc3: {  	v7 =	vadd.f32 v7, v12;
	v8 =	vor.u32 $0x100, v4;
	v6 =	vand.u32 $0xFFFFFE00, v6;
	v29 =	vld.idx.msk [tilespmem:v42+s2+$0x0], $0xffff  }
0xc4: {  	v12 =	vadd.f32 v22, v19;
	v17 =	vadd.f32 v23, v17;
	v22 =	vand.u32 $0x7F, v30;
	v19 =	vld.idx.msk [tilespmem:v46+s2+$0x0], $0xffff  }
0xc5: {  	v15 =	vadd.f32 v5, v15;
	v18 =	vadd.f32 v20, v18;
	v6 =	vor.u32 v22, v6;
	v11 =	vld.idx.msk [tilespmem:v11+s2+$0x0], $0xffff  }
0xc6: {  	v7 =	vadd.f32 v3, v7;
	v17 =	vadd.f32 v24, v17;
	v5 =	vor.u32 $0x80, v6;
	v20 =	vld.idx.msk [tilespmem:v40+s2+$0x0], $0xffff  }
0xc7: {  	v3 =	vor.u32 $0x100, v6;
	v15 =	vadd.f32 v16, v15;
	v18 =	vadd.f32 v26, v18;
	v22 =	vld.idx.msk [tilespmem:v48+s2+$0x0], $0xffff  }
0xc8: {  	v16 =	vadd.f32 v2, v7;
	v12 =	vadd.f32 v21, v12;
	v10 =	vld.idx.msk [tilespmem:v10+s2+$0x0], $0xffff  }
0xc9: {  	v14 =	vadd.f32 v14, v15;
	v17 =	vadd.f32 v29, v17;
	v2 =	vld.idx.msk [tilespmem:v43+s2+$0x0], $0xffff  }
0xca: {  	v16 =	vadd.f32 v1, v16;
	v15 =	vadd.f32 v19, v18;
	v7 =	vld.idx.msk [tilespmem:v45+s2+$0x0], $0xffff  }
.Ltmp0:
0xcb: {  	v14 =	vadd.f32 v13, v14;
	v11 =	vadd.f32 v11, v12;
	v1 =	vld.idx.msk [tilespmem:v9+s2+$0x0], $0xffff;
	(pc) =	sbr.rel @p0 .LBB2_2-.Ltmp0, $4  }
0xcc: {  	v16 =	vadd.f32 v0, v16;
	v12 =	vadd.f32 v20, v17;
	v9 =	vld.idx.msk [tilespmem:v25+s2+$0x0], $0xffff  }
0xcd: {  	v13 =	vadd.f32 v22, v15;
	v0 =	vld.idx.msk [tilespmem:v28+s2+$0x0], $0xffff;
	[tilespmem:s15+$0x80] =	vst v14  }
0xce: {  	v14 =	vadd.f32 v10, v11;
	v10 =	vld.idx.msk [tilespmem:v32+s2+$0x0], $0xffff;
	[tilespmem:s15+$0x0] =	vst v16  }
0xcf: {  	v11 =	vld.idx.msk [tilespmem:v27+s2+$0x0], $0xffff  }
0xd0: {  	_ =	sdelay $0x3  }
0xd1: {  	v8 =	vld.idx.msk [tilespmem:v8+s2+$0x0], $0xffff  }
0xd2: {  	v7 =	vadd.f32 v7, v12;
	v4 =	vld.idx.msk [tilespmem:v4+s2+$0x0], $0xffff  }
0xd3: {  	v1 =	vadd.f32 v1, v13;
	v5 =	vld.idx.msk [tilespmem:v5+s2+$0x0], $0xffff  }
0xd4: {  	v2 =	vadd.f32 v2, v14;
	v3 =	vld.idx.msk [tilespmem:v3+s2+$0x0], $0xffff;
	v7 =	vadd.f32 v9, v7  }
0xd5: {  	v61 =	vld.idx.msk [tilespmem:v6+s2+$0x0], $0xffff;
	v0 =	vadd.f32 v0, v1  }
0xd6: {  	v2 =	vadd.f32 v10, v2;
	v62 =	vadd.f32 v11, v7  }
0xd7: {  	v0 =	vadd.f32 v8, v0  }
0xd8: {  	v2 =	vadd.f32 v4, v2;
	v63 =	vadd.f32 v5, v62  }
0xd9: {  	v0 =	vadd.f32 v3, v0  }
0xda: {  	s12 =	sadd.s32 $0x1, s12;
	v1 =	vadd.f32 v61, v2;
	[tilespmem:s17+$0x80] =	vst v63  }
0xdb: {  	p0 =	sne.s32 s12, s6;
	[tilespmem:s17+$0x100] =	vst v0  }
.Ltmp1:
0xdc: {  	[tilespmem:s17+$0x0] =	vst v1;
	(pc) =	sbr.rel @p0 .LBB2_1-.Ltmp1, $4  }
0xdd: {  	[hbm4b:s5+s2] =	stream.linear.scatter [tilespmem:s11], [sflag:$0x1], $0x800, $0x38;
	[tilespmem:$0x4600] =	vst v63  }
0xde: {  	_ =	swait.ge [sflag:s10], $0x800  }
0xdf: {  	[sflag:s10] =	ssyncset.done $0x0  }
0xe0: {  	[sflag:s10] =	ssyncadd.s32 $0xFFFFF800  }
0xe1: {  	_ =	sfence.sel $0x180000  }
0xe2: {  	[bflag:$0x0] =	sbarrier.arrive $0xFFFF  }
0xe3: {  	p0 =	sne.s32 s1, $0x0;
	_ =	strace $0x90000047  }
0xe4: {  	s0 =	sadd.s32 @!p0 $0x100000, s0;
	[bflag:$0x2] =	sbarrier.arrive $0xFFFF  }
0xe5: {  	[sflag:s0] =	ssyncadd.tile.s32 @!p0 $0x1;
	_ =	shalt  }
.Lfunc_end2:
_tile_overlayer_lowered:
.L_overlay_start_2:
0xe6: {  	(tag) =	ssettag $0x2  }
0xe7: {  	s0 =	rddreg [dreg:$0x0];
	s2 =	stileid.u32  }
0xe8: {  	s1 =	rddreg [dreg:$0x1];
	p0 =	sne.s32 s2, $0x0  }
0xe9: {  	s3 =	rddreg [dreg:$0x2];
	[bflag:$0x3] =	sbarrier.arrive $0xFFFF;
	s2 =	simm.s32 @!p0 $0x1C01  }
0xea: {  	[timem:s3], [sflag:s2] =	dma.local @!p0 [hbm:s0], s1  }
0xeb: {  	s0 =	simm.s32 @!p0 $0x1  }
0xec: {  	_ =	swait.ge @!p0 [sflag:s0], s1  }
0xed: {  	s1 =	ssub.s32 @!p0 $0x0, s1;
	[sflag:s0] =	ssyncset.done @!p0 $0x0  }
0xee: {  	[sflag:s0] =	ssyncadd.s32 @!p0 s1  }
0xef: {  	[bflag:$0x3] =	sbarrier.arrive $0xFFFF  }
0xf0: {  	_ =	shalt  }

</sc_bundles>
